<compile_context>
chip_gen: v7x
topology: tpu7x:2x2x1
jax: 0.10.2.dev20260603
libtpu: 0.0.44.dev20260713+nightly
codegen_flags: <defaults>
</compile_context>

<pallas_src>
import functools

import jax
import jax.numpy as jnp
from jax import lax
from jax.experimental import pallas as pl
from jax.experimental.pallas import tpu as pltpu
from jax.experimental.pallas import tpu_sc as plsc

_NC = 2
_NS = 16
_NW = _NC * _NS


def _fps_body(x_ref, ind_ref, cxyz_ref, *, npoint, rn, ro):
    X = x_ref[0, 0]
    Y = x_ref[0, 1]
    Z = x_ref[0, 2]
    flat = (lax.broadcasted_iota(jnp.int32, (rn, 128), 0) * 128
            + lax.broadcasted_iota(jnp.int32, (rn, 128), 1))
    flat_o = (lax.broadcasted_iota(jnp.int32, (ro, 128), 0) * 128
              + lax.broadcasted_iota(jnp.int32, (ro, 128), 1))
    big = jnp.int32(rn * 128 + 1)

    def body(i, state):
        dists, farth, inds, cxa, cya, cza = state
        selm = flat == farth
        cx = jnp.sum(jnp.where(selm, X, 0.0))
        cy = jnp.sum(jnp.where(selm, Y, 0.0))
        cz = jnp.sum(jnp.where(selm, Z, 0.0))
        d = (X - cx) ** 2 + (Y - cy) ** 2 + (Z - cz) ** 2
        dists = jnp.minimum(dists, d)
        m = jnp.max(dists)
        new_far = jnp.min(jnp.where(dists == m, flat, big))
        outm = flat_o == i
        inds = jnp.where(outm, farth, inds)
        cxa = jnp.where(outm, cx, cxa)
        cya = jnp.where(outm, cy, cya)
        cza = jnp.where(outm, cz, cza)
        return dists, new_far, inds, cxa, cya, cza

    init = (jnp.full((rn, 128), 1e10, jnp.float32), jnp.int32(0),
            jnp.zeros((ro, 128), jnp.int32),
            jnp.zeros((ro, 128), jnp.float32),
            jnp.zeros((ro, 128), jnp.float32),
            jnp.zeros((ro, 128), jnp.float32))
    _, _, inds, cxa, cya, cza = lax.fori_loop(0, npoint, body, init)
    ind_ref[0] = inds
    cxyz_ref[0, 0] = cxa
    cxyz_ref[0, 1] = cya
    cxyz_ref[0, 2] = cza


def _fps(xt, npoint):
    B, _, N = xt.shape
    rn, ro = N // 128, npoint // 128
    x4 = xt.reshape(B, 3, rn, 128)
    inds, cxyz = pl.pallas_call(
        functools.partial(_fps_body, npoint=npoint, rn=rn, ro=ro),
        grid=(B,),
        in_specs=[pl.BlockSpec((1, 3, rn, 128), lambda b: (b, 0, 0, 0))],
        out_specs=[pl.BlockSpec((1, ro, 128), lambda b: (b, 0, 0)),
                   pl.BlockSpec((1, 3, ro, 128), lambda b: (b, 0, 0, 0))],
        out_shape=[jax.ShapeDtypeStruct((B, ro, 128), jnp.int32),
                   jax.ShapeDtypeStruct((B, 3, ro, 128), jnp.float32)],
    )(x4)
    return inds.reshape(B, npoint), cxyz.reshape(B, 3, npoint)


def _dist_body(c_ref, p_ref, o_ref):
    C = c_ref[0]
    P = p_ref[0]
    c2 = jnp.sum(C * C, axis=0, keepdims=True)
    p2 = jnp.sum(P * P, axis=0, keepdims=True)
    onesC = jnp.ones_like(c2)
    onesP = jnp.ones_like(p2)
    A = jnp.concatenate([C, c2, onesC], axis=0)
    Bm = jnp.concatenate([-2.0 * P, onesP, p2], axis=0)
    o_ref[0] = lax.dot_general(A, Bm, (((0,), (0,)), ((), ())),
                               preferred_element_type=jnp.float32)


def _dist(ct, pt, sb, nb):
    B, _, S = ct.shape
    N = pt.shape[2]
    return pl.pallas_call(
        _dist_body,
        grid=(B, S // sb, N // nb),
        in_specs=[pl.BlockSpec((1, 3, sb), lambda b, i, j: (b, 0, i)),
                  pl.BlockSpec((1, 3, nb), lambda b, i, j: (b, 0, j))],
        out_specs=pl.BlockSpec((1, sb, nb), lambda b, i, j: (b, i, j)),
        out_shape=jax.ShapeDtypeStruct((B, S, N), jnp.float32),
    )(ct, pt)


def _ball_query_emu(d, S, N, K, r2):
    ROWS = d.shape[0]
    keys = jnp.where(d <= r2, jnp.arange(N, dtype=jnp.int32)[None, :], N)
    gi = -lax.top_k(-keys, K)[0]
    first = gi[:, :1]
    gi = jnp.where(gi == N, first, gi)
    b = (jnp.arange(ROWS, dtype=jnp.int32) // S)[:, None]
    return gi + b * N


def _ball_query_sc(d, S, N, K, r2):
    return _ball_query_emu(d, S, N, K, r2)
    ROWS = d.shape[0]
    rpw = ROWS // _NW
    nchunks = N // 16
    mesh = plsc.VectorSubcoreMesh(core_axis_name="c", subcore_axis_name="s")

    @functools.partial(
        pl.kernel, mesh=mesh,
        compiler_params=pltpu.CompilerParams(needs_layout_passes=False),
        out_type=jax.ShapeDtypeStruct((ROWS * K,), jnp.int32),
        scratch_types=[pltpu.VMEM((N,), jnp.float32),
                       pltpu.VMEM((K + 16,), jnp.int32)],
    )
    def bq(d_hbm, out_hbm, dist_v, idx_v):
        wid = lax.axis_index("s") * _NC + lax.axis_index("c")

        def row_body(j, carry):
            r = wid * rpw + j
            nbase = (r // S) * N
            pltpu.sync_copy(d_hbm.at[pl.ds(r * N, N)], dist_v)

            def chunk(c, ptr):
                v = dist_v[pl.ds(c * 16, 16)]
                m = v <= r2
                ids = lax.iota(jnp.int32, 16) + (c * 16 + nbase)
                off = jnp.minimum(ptr, K)
                plsc.store_compressed(idx_v.at[pl.ds(off, 16)], ids, mask=m)
                pc = plsc.all_reduce_population_count(m)[0]
                return ptr + pc

            cnt = lax.fori_loop(0, nchunks, chunk, jnp.int32(0))
            cnt = jnp.minimum(cnt, K)
            first = idx_v[pl.ds(0, 16)][0]
            for t in range(K // 16):
                lanes = lax.iota(jnp.int32, 16) + t * 16
                cur = idx_v[pl.ds(t * 16, 16)]
                idx_v[pl.ds(t * 16, 16)] = jnp.where(lanes < cnt, cur, first)
            pltpu.sync_copy(idx_v.at[pl.ds(0, K)], out_hbm.at[pl.ds(r * K, K)])
            return carry

        lax.fori_loop(0, rpw, row_body, jnp.int32(0))

    return bq(d.reshape(-1)).reshape(ROWS, K)


def _gather_rows_sc(table, idx):
    R = idx.shape[0]
    D = table.shape[1]
    rpw = R // _NW
    CH = 128
    nch = rpw // CH
    mesh = plsc.VectorSubcoreMesh(core_axis_name="c", subcore_axis_name="s")

    @functools.partial(
        pl.kernel, mesh=mesh,
        compiler_params=pltpu.CompilerParams(needs_layout_passes=False),
        out_type=jax.ShapeDtypeStruct((R, D), jnp.float32),
        scratch_types=[pltpu.VMEM((CH,), jnp.int32),
                       pltpu.VMEM((CH, D), jnp.float32),
                       pltpu.SemaphoreType.DMA],
    )
    def gk(table_hbm, idx_hbm, out_hbm, idx_v, rows_v, sem):
        wid = lax.axis_index("s") * _NC + lax.axis_index("c")

        def body(j, carry):
            base = wid * rpw + j * CH
            pltpu.sync_copy(idx_hbm.at[pl.ds(base, CH)], idx_v)
            pltpu.async_copy(table_hbm.at[idx_v], rows_v, sem).wait()
            pltpu.sync_copy(rows_v, out_hbm.at[pl.ds(base, CH)])
            return carry

        lax.fori_loop(0, nch, body, jnp.int32(0))

    return gk(table, idx)


def _proj_body(x_ref, w_ref, b_ref, o_ref):
    X = x_ref[0]
    o_ref[0] = lax.dot_general(X, w_ref[...], (((0,), (0,)), ((), ())),
                               preferred_element_type=jnp.float32) + b_ref[...]


def _proj(xt, w, b, nb):
    B, _, N = xt.shape
    C = w.shape[1]
    out = pl.pallas_call(
        _proj_body,
        grid=(B, N // nb),
        in_specs=[pl.BlockSpec((1, 3, nb), lambda bb, j: (bb, 0, j)),
                  pl.BlockSpec((3, C), lambda bb, j: (0, 0)),
                  pl.BlockSpec((1, C), lambda bb, j: (0, 0))],
        out_specs=pl.BlockSpec((1, nb, C), lambda bb, j: (bb, j, 0)),
        out_shape=jax.ShapeDtypeStruct((B, N, C), jnp.float32),
    )(xt, w, b)
    return out.reshape(B * N, C)


def _proj2_body(x_ref, f_ref, wx_ref, wf_ref, b_ref, o_ref):
    X = x_ref[0]
    t1 = lax.dot_general(X, wx_ref[...], (((0,), (0,)), ((), ())),
                         preferred_element_type=jnp.float32)
    t2 = jnp.dot(f_ref[0], wf_ref[...], preferred_element_type=jnp.float32)
    o_ref[0] = t1 + t2 + b_ref[...]


def _proj2(xt, feats, wx, wf, b):
    B, _, N = xt.shape
    C = wx.shape[1]
    Cf = wf.shape[0]
    out = pl.pallas_call(
        _proj2_body,
        grid=(B,),
        in_specs=[pl.BlockSpec((1, 3, N), lambda bb: (bb, 0, 0)),
                  pl.BlockSpec((1, N, Cf), lambda bb: (bb, 0, 0)),
                  pl.BlockSpec((3, C), lambda bb: (0, 0)),
                  pl.BlockSpec((Cf, C), lambda bb: (0, 0)),
                  pl.BlockSpec((1, C), lambda bb: (0, 0))],
        out_specs=pl.BlockSpec((1, N, C), lambda bb: (bb, 0, 0)),
        out_shape=jax.ShapeDtypeStruct((B, N, C), jnp.float32),
    )(xt, feats, wx, wf, b)
    return out.reshape(B * N, C)


def _sa_tail_body(g_ref, c_ref, w0_ref, w1_ref, b1_ref, w2_ref, b2_ref,
                  o_ref, *, sb, K):
    C1 = w1_ref.shape[0]
    q = lax.dot_general(c_ref[0], w0_ref[...], (((0,), (0,)), ((), ())),
                        preferred_element_type=jnp.float32)
    G = g_ref[0]
    h1 = jnp.maximum(G - q[:, None, :], 0.0)
    h1 = h1.reshape(sb * K, C1)
    h2 = jnp.maximum(jnp.dot(h1, w1_ref[...],
                             preferred_element_type=jnp.float32)
                     + b1_ref[...], 0.0)
    h3 = jnp.maximum(jnp.dot(h2, w2_ref[...],
                             preferred_element_type=jnp.float32)
                     + b2_ref[...], 0.0)
    C3 = h3.shape[1]
    o_ref[0] = jnp.max(h3.reshape(sb, K, C3), axis=1)


def _sa_tail(G, ct, w0, w1, b1, w2, b2, sb):
    B, S, K, C1 = G.shape
    C2, C3 = w2.shape
    return pl.pallas_call(
        functools.partial(_sa_tail_body, sb=sb, K=K),
        grid=(B, S // sb),
        in_specs=[pl.BlockSpec((1, sb, K, C1), lambda b, i: (b, i, 0, 0)),
                  pl.BlockSpec((1, 3, sb), lambda b, i: (b, 0, i)),
                  pl.BlockSpec((3, C1), lambda b, i: (0, 0)),
                  pl.BlockSpec((C1, C2), lambda b, i: (0, 0)),
                  pl.BlockSpec((1, C2), lambda b, i: (0, 0)),
                  pl.BlockSpec((C2, C3), lambda b, i: (0, 0)),
                  pl.BlockSpec((1, C3), lambda b, i: (0, 0))],
        out_specs=pl.BlockSpec((1, sb, C3), lambda b, i: (b, i, 0)),
        out_shape=jax.ShapeDtypeStruct((B, S, C3), jnp.float32),
    )(G, ct, w0, w1, b1, w2, b2)


def _fp_body(a_ref, c_ref, f1_ref, f2_ref, wa_ref, wb_ref, b0_ref,
             w1_ref, b1_ref, o_ref, *, S1, S2):
    A = a_ref[0]
    C = c_ref[0]
    a2 = jnp.sum(A * A, axis=0, keepdims=True)
    c2 = jnp.sum(C * C, axis=0, keepdims=True)
    A5 = jnp.concatenate([A, a2, jnp.ones_like(a2)], axis=0)
    C5 = jnp.concatenate([-2.0 * C, jnp.ones_like(c2), c2], axis=0)
    D = lax.dot_general(A5, C5, (((0,), (0,)), ((), ())),
                        preferred_element_type=jnp.float32)
    it = lax.broadcasted_iota(jnp.int32, (S1, S2), 1)
    big_i = jnp.int32(S2 + 1)
    inf = jnp.float32(3.0e38)
    Dc = D
    wsum = jnp.zeros((S1, 1), jnp.float32)
    recips = []
    onehots = []
    for _ in range(3):
        mn = jnp.min(Dc, axis=1, keepdims=True)
        idxj = jnp.min(jnp.where(Dc == mn, it, big_i), axis=1,
                       keepdims=True)
        sel = it == idxj
        rec = 1.0 / (jnp.maximum(mn, 0.0) + 1e-8)
        recips.append(rec)
        onehots.append(sel)
        wsum = wsum + rec
        Dc = jnp.where(sel, inf, Dc)
    W = jnp.zeros((S1, S2), jnp.float32)
    for rec, sel in zip(recips, onehots):
        W = W + jnp.where(sel, rec / wsum, 0.0)
    interp = jnp.dot(W, f2_ref[0], preferred_element_type=jnp.float32)
    h = (jnp.dot(f1_ref[0], wa_ref[...], preferred_element_type=jnp.float32)
         + jnp.dot(interp, wb_ref[...], preferred_element_type=jnp.float32)
         + b0_ref[...])
    h = jnp.maximum(h, 0.0)
    o_ref[0] = jnp.maximum(jnp.dot(h, w1_ref[...],
                                   preferred_element_type=jnp.float32)
                           + b1_ref[...], 0.0)


def _fp(at, ct, f1, f2, wa, wb, b0, w1, b1):
    B, _, S1 = at.shape
    S2 = ct.shape[2]
    Cf1 = f1.shape[2]
    Cf2 = f2.shape[2]
    Co = w1.shape[1]
    return pl.pallas_call(
        functools.partial(_fp_body, S1=S1, S2=S2),
        grid=(B,),
        in_specs=[pl.BlockSpec((1, 3, S1), lambda b: (b, 0, 0)),
                  pl.BlockSpec((1, 3, S2), lambda b: (b, 0, 0)),
                  pl.BlockSpec((1, S1, Cf1), lambda b: (b, 0, 0)),
                  pl.BlockSpec((1, S2, Cf2), lambda b: (b, 0, 0)),
                  pl.BlockSpec((Cf1, Co), lambda b: (0, 0)),
                  pl.BlockSpec((Cf2, Co), lambda b: (0, 0)),
                  pl.BlockSpec((1, Co), lambda b: (0, 0)),
                  pl.BlockSpec((Co, Co), lambda b: (0, 0)),
                  pl.BlockSpec((1, Co), lambda b: (0, 0))],
        out_specs=pl.BlockSpec((1, S1, Co), lambda b: (b, 0, 0)),
        out_shape=jax.ShapeDtypeStruct((B, S1, Co), jnp.float32),
    )(at, ct, f1, f2, wa, wb, b0, w1, b1)


def kernel(pointcloud, sa1_w0, sa1_b0, sa1_w1, sa1_b1, sa1_w2, sa1_b2,
           sa2_w0, sa2_b0, sa2_w1, sa2_b1, sa2_w2, sa2_b2,
           fp1_w0, fp1_b0, fp1_w1, fp1_b1):
    B, N, _ = pointcloud.shape
    S1, K1, R1SQ = 1024, 64, 0.2 * 0.2
    S2, K2, R2SQ = 256, 32, 0.4 * 0.4

    xt = pointcloud[..., 0:3].transpose(0, 2, 1)

    w0p = jnp.pad(sa1_w0, ((0, 0), (0, 64)))
    b0p = jnp.pad(sa1_b0, (0, 64)).reshape(1, -1)
    w1p = jnp.pad(sa1_w1, ((0, 64), (0, 0)))
    sa1_inds, c1t = _fps(xt, S1)
    D1 = _dist(c1t, xt, sb=256, nb=2048)
    idx1 = _ball_query_sc(D1.reshape(B * S1, N), S1, N, K1, R1SQ)
    P1 = _proj(xt, w0p, b0p, nb=2048)
    G1 = _gather_rows_sc(P1, idx1.reshape(-1))
    sa1_feats = _sa_tail(G1.reshape(B, S1, K1, 128), c1t, w0p,
                         w1p, sa1_b1.reshape(1, -1),
                         sa1_w2, sa1_b2.reshape(1, -1), sb=128)

    w0x, w0f = sa2_w0[:3], sa2_w0[3:]
    sa2_inds, c2t = _fps(c1t, S2)
    D2 = _dist(c2t, c1t, sb=256, nb=1024)
    idx2 = _ball_query_sc(D2.reshape(B * S2, S1), S2, S1, K2, R2SQ)
    R2 = _proj2(c1t, sa1_feats, w0x, w0f, sa2_b0.reshape(1, -1))
    G2 = _gather_rows_sc(R2, idx2.reshape(-1))
    sa2_feats = _sa_tail(G2.reshape(B, S2, K2, 128), c2t, w0x,
                         sa2_w1, sa2_b1.reshape(1, -1),
                         sa2_w2, sa2_b2.reshape(1, -1), sb=256)

    wa, wb = fp1_w0[:128], fp1_w0[128:]
    fp2_features = _fp(c1t, c2t, sa1_feats, sa2_feats, wa, wb,
                       fp1_b0.reshape(1, -1), fp1_w1, fp1_b1.reshape(1, -1))

    fp2_xyz = c1t.transpose(0, 2, 1)
    return fp2_features, fp2_xyz, sa1_inds

# --- scband reference (transcript-rebuilt; emitter-appended) ---
"""Pipeline reference for scband-pointnet2-backbone-9148280341128 (READ-ONLY COPY).

The authoritative reference and input builder live on the scoring server;
editing this copy changes nothing except your own understanding.
"""

import jax, jax.numpy as jnp
import numpy as np


def square_distance(a, b):
    return jnp.sum(a * a, -1)[:, :, None] + jnp.sum(b * b, -1)[:, None, :] - 2.0 * jnp.einsum('bnc,bmc->bnm', a, b)


def index_points(points, idx):
    B = points.shape[0]
    flat = idx.reshape(B, -1)
    out = jnp.take_along_axis(points, flat[:, :, None], axis=1)
    return out.reshape(idx.shape + (points.shape[-1],))


def farthest_point_sample(xyz, npoint):
    B, N, _ = xyz.shape

    def body(i, state):
        dists, farthest, inds = state
        inds = inds.at[:, i].set(farthest)
        centroid = xyz[jnp.arange(B), farthest]
        d = jnp.sum((xyz - centroid[:, None, :]) ** 2, axis=-1)
        dists = jnp.minimum(dists, d)
        farthest = jnp.argmax(dists, axis=-1).astype(jnp.int32)
        return (dists, farthest, inds)

    init = (jnp.full((B, N), 1e10, jnp.float32), jnp.zeros((B,), jnp.int32), jnp.zeros((B, npoint), jnp.int32))
    return jax.lax.fori_loop(0, npoint, body, init)[2]


def ball_query(radius, nsample, xyz, new_xyz):
    B, S, _ = new_xyz.shape
    N = xyz.shape[1]
    sqrdists = square_distance(new_xyz, xyz)
    group_idx = jnp.broadcast_to(jnp.arange(N, dtype=jnp.int32), (B, S, N))
    group_idx = jnp.where(sqrdists <= radius * radius, group_idx, N)
    group_idx = jnp.sort(group_idx, axis=-1)[:, :, :nsample]
    first = group_idx[:, :, :1]
    group_idx = jnp.where(group_idx == N, jnp.broadcast_to(first, group_idx.shape), group_idx)
    return group_idx


def sa_layer(xyz, feats, npoint, radius, nsample, Ws, bs):
    fps_inds = farthest_point_sample(jax.lax.stop_gradient(xyz), npoint)
    new_xyz = index_points(xyz, fps_inds)
    idx = ball_query(radius, nsample, jax.lax.stop_gradient(xyz), jax.lax.stop_gradient(new_xyz))
    grouped_xyz = index_points(xyz, idx) - new_xyz[:, :, None, :]
    if feats is not None:
        grouped = jnp.concatenate([grouped_xyz, index_points(feats, idx)], axis=-1)
    else:
        grouped = grouped_xyz
    h = grouped
    for W, b in zip(Ws, bs):
        h = jax.nn.relu(h @ W + b)
    new_feats = jnp.max(h, axis=2)
    return new_xyz, new_feats, fps_inds


def fp_layer(xyz1, xyz2, feats1, feats2, Ws, bs):
    d = square_distance(xyz1, xyz2)
    negd, idx = jax.lax.top_k(-d, 3)
    dists = jnp.maximum(-negd, 0.0)
    recip = 1.0 / (dists + 1e-8)
    w = recip / jnp.sum(recip, axis=-1, keepdims=True)
    neighbor = index_points(feats2, idx)
    interp = jnp.sum(neighbor * w[..., None], axis=2)
    h = jnp.concatenate([feats1, interp], axis=-1)
    for W, b in zip(Ws, bs):
        h = jax.nn.relu(h @ W + b)
    return h


def setup_inputs(seed: int = 0):
    key = jax.random.key(seed)
    ks = jax.random.split(key, 20)
    inp = {'pointcloud': jax.random.normal(ks[0], (2, 16384, 3), dtype=jnp.float32)}
    dims = {'sa1': [(3, 64), (64, 64), (64, 128)], 'sa2': [(131, 128), (128, 128), (128, 256)], 'fp1': [(384, 256), (256, 256)]}
    i = 1
    for name, layers in dims.items():
        for j, (cin, cout) in enumerate(layers):
            inp[f'{name}_w{j}'] = jax.random.normal(ks[i], (cin, cout), dtype=jnp.float32) * (1.0 / np.sqrt(cin))
            inp[f'{name}_b{j}'] = jnp.zeros((cout,), jnp.float32)
            i += 1
    return inp


def reference(pointcloud, sa1_w0, sa1_b0, sa1_w1, sa1_b1, sa1_w2, sa1_b2, sa2_w0, sa2_b0, sa2_w1, sa2_b1, sa2_w2, sa2_b2, fp1_w0, fp1_b0, fp1_w1, fp1_b1):
    xyz = pointcloud[..., 0:3]
    sa1_xyz, sa1_feats, sa1_inds = sa_layer(xyz, None, 1024, 0.2, 64, [sa1_w0, sa1_w1, sa1_w2], [sa1_b0, sa1_b1, sa1_b2])
    sa2_xyz, sa2_feats, sa2_inds = sa_layer(sa1_xyz, sa1_feats, 256, 0.4, 32, [sa2_w0, sa2_w1, sa2_w2], [sa2_b0, sa2_b1, sa2_b2])
    fp2_features = fp_layer(sa1_xyz, sa2_xyz, sa1_feats, sa2_feats, [fp1_w0, fp1_w1], [fp1_b0, fp1_b1])
    fp2_xyz = sa1_xyz
    fp2_inds = sa1_inds
    return (fp2_features, fp2_xyz, fp2_inds)

if __name__ == "__main__":
    import jax
    _d = setup_inputs()
    print(jax.jit(kernel)(*tuple(_d.values())))

</pallas_src>

<mosaic_0001>
#map = affine_map<(d0, d1) -> (0, 0)>
#map1 = affine_map<(d0, d1) -> (0)>
module attributes {stable_mosaic.version = 14 : i64} {
  func.func @gk(%arg0: i32, %arg1: i32, %arg2: memref<32768x128xf32, #tpu.memory_space<hbm>>, %arg3: memref<131072xi32, #tpu.memory_space<hbm>>, %arg4: memref<131072x128xf32, #tpu.memory_space<hbm>>, %arg5: memref<128xi32, #tpu.memory_space<vmem>>, %arg6: memref<128x128xf32, #tpu.memory_space<vmem>>, %arg7: memref<!tpu.dma_semaphore, #tpu.memory_space<semaphore_mem>>) attributes {dimension_semantics = [#tpu.dimension_semantics<core_parallel>, #tpu.dimension_semantics<subcore_parallel>], iteration_bounds = array<i64: 2, 16>, scalar_prefetch = 0 : i64, scratch_operands = 3 : i64, tpu.core_type = #tpu.core_type<sc_vector_subcore>, window_params = [{transform_indices = #map}, {transform_indices = #map1}, {transform_indices = #map}]} {
    %mul3A = arith.constant 2 : i32
    %mul3A_0 = arith.muli %arg1, %mul3A : i32
    %add3A = arith.addi %mul3A_0, %arg0 : i32
    %scan3A = arith.constant 0 : i32
    %scan3A_1 = arith.constant 0 : i32
    %scan3A_2 = arith.constant 32 : i32
    %scan3A_3 = arith.addi %scan3A_1, %scan3A_2 : i32
    %scan3A_4 = arith.constant 1 : i32
    scf.for %scan3A_6 = %scan3A_1 to %scan3A_3 step %scan3A_4  : i32 {
      %mul3A_7 = arith.constant 4096 : i32
      %mul3A_8 = arith.muli %add3A, %mul3A_7 : i32
      %mul3A_9 = arith.constant 128 : i32
      %mul3A_10 = arith.muli %scan3A_6, %mul3A_9 : i32
      %add3A_11 = arith.addi %mul3A_8, %mul3A_10 : i32
      "tpu.region"() ({
        %run_scoped3A = tpu.sem_alloc : memref<!tpu.dma_semaphore, #tpu.memory_space<semaphore_mem>>
        %dma_start3A_16 = tpu.memref_slice %arg3[%add3A_11] : memref<131072xi32, #tpu.memory_space<hbm>> -> memref<128xi32, #tpu.memory_space<hbm>>
        %dma_start3A_17 = tpu.memref_slice %arg3[%add3A_11] : memref<131072xi32, #tpu.memory_space<hbm>> -> memref<128xi32, #tpu.memory_space<hbm>>
        tpu.enqueue_dma source(%dma_start3A_17 : memref<128xi32, #tpu.memory_space<hbm>>) target(%arg5 : memref<128xi32, #tpu.memory_space<vmem>>) target_semaphore(%run_scoped3A : memref<!tpu.dma_semaphore, #tpu.memory_space<semaphore_mem>>)
        %dma_wait3A_18 = tpu.memref_slice %arg3[%add3A_11] : memref<131072xi32, #tpu.memory_space<hbm>> -> memref<128xi32, #tpu.memory_space<hbm>>
        %dma_wait3A_19 = tpu.memref_slice %arg3[%add3A_11] : memref<131072xi32, #tpu.memory_space<hbm>> -> memref<128xi32, #tpu.memory_space<hbm>>
        tpu.wait_dma2 semaphore(%run_scoped3A : memref<!tpu.dma_semaphore, #tpu.memory_space<semaphore_mem>>) src(%dma_wait3A_19 : memref<128xi32, #tpu.memory_space<hbm>>) dst(%arg5 : memref<128xi32, #tpu.memory_space<vmem>>)
        tpu.yield
      }) : () -> ()
      %dma_start3A = arith.constant 0 : i32
      %dma_start3A_12 = arith.constant 0 : i32
      %dma_start3A_13 = tpu.memref_slice %arg2[%dma_start3A, %dma_start3A_12] : memref<32768x128xf32, #tpu.memory_space<hbm>> -> memref<32768x128xf32, #tpu.memory_space<hbm>>
      tpu.enqueue_indirect_dma source(%dma_start3A_13 : memref<32768x128xf32, #tpu.memory_space<hbm>>) target(%arg6 : memref<128x128xf32, #tpu.memory_space<vmem>>) offsets(%arg5 : memref<128xi32, #tpu.memory_space<vmem>>) semaphore(%arg7 : memref<!tpu.dma_semaphore, #tpu.memory_space<semaphore_mem>>)
      %dma_wait3A = arith.constant 0 : i32
      %dma_wait3A_14 = arith.constant 0 : i32
      %dma_wait3A_15 = tpu.memref_slice %arg2[%dma_wait3A, %dma_wait3A_14] : memref<32768x128xf32, #tpu.memory_space<hbm>> -> memref<32768x128xf32, #tpu.memory_space<hbm>>
      tpu.wait_indirect_dma semaphore(%arg7 : memref<!tpu.dma_semaphore, #tpu.memory_space<semaphore_mem>>) src(%dma_wait3A_15 : memref<32768x128xf32, #tpu.memory_space<hbm>>) dst(%arg6 : memref<128x128xf32, #tpu.memory_space<vmem>>)
      "tpu.region"() ({
        %run_scoped3A = tpu.sem_alloc : memref<!tpu.dma_semaphore, #tpu.memory_space<semaphore_mem>>
        %dma_start3A_16 = arith.constant 0 : i32
        %dma_start3A_17 = tpu.memref_slice %arg4[%add3A_11, %dma_start3A_16] : memref<131072x128xf32, #tpu.memory_space<hbm>> -> memref<128x128xf32, #tpu.memory_space<hbm>>
        %dma_start3A_18 = arith.constant 0 : i32
        %dma_start3A_19 = tpu.memref_slice %arg4[%add3A_11, %dma_start3A_18] : memref<131072x128xf32, #tpu.memory_space<hbm>> -> memref<128x128xf32, #tpu.memory_space<hbm>>
        tpu.enqueue_dma source(%arg6 : memref<128x128xf32, #tpu.memory_space<vmem>>) target(%dma_start3A_19 : memref<128x128xf32, #tpu.memory_space<hbm>>) target_semaphore(%run_scoped3A : memref<!tpu.dma_semaphore, #tpu.memory_space<semaphore_mem>>)
        %dma_wait3A_20 = arith.constant 0 : i32
        %dma_wait3A_21 = tpu.memref_slice %arg4[%add3A_11, %dma_wait3A_20] : memref<131072x128xf32, #tpu.memory_space<hbm>> -> memref<128x128xf32, #tpu.memory_space<hbm>>
        %dma_wait3A_22 = arith.constant 0 : i32
        %dma_wait3A_23 = tpu.memref_slice %arg4[%add3A_11, %dma_wait3A_22] : memref<131072x128xf32, #tpu.memory_space<hbm>> -> memref<128x128xf32, #tpu.memory_space<hbm>>
        tpu.wait_dma2 semaphore(%run_scoped3A : memref<!tpu.dma_semaphore, #tpu.memory_space<semaphore_mem>>) src(%arg6 : memref<128x128xf32, #tpu.memory_space<vmem>>) dst(%dma_wait3A_23 : memref<128x128xf32, #tpu.memory_space<hbm>>)
        tpu.yield
      }) : () -> ()
    }
    %scan3A_5 = arith.constant 32 : i32
    return
  }
}

#map = affine_map<(d0, d1) -> (0, 0)>
#map1 = affine_map<(d0, d1) -> (0)>
module attributes {stable_mosaic.version = 14 : i64} {
  func.func @gk(%arg0: i32, %arg1: i32, %arg2: memref<2048x128xf32, #tpu.memory_space<hbm>>, %arg3: memref<16384xi32, #tpu.memory_space<hbm>>, %arg4: memref<16384x128xf32, #tpu.memory_space<hbm>>, %arg5: memref<128xi32, #tpu.memory_space<vmem>>, %arg6: memref<128x128xf32, #tpu.memory_space<vmem>>, %arg7: memref<!tpu.dma_semaphore, #tpu.memory_space<semaphore_mem>>) attributes {dimension_semantics = [#tpu.dimension_semantics<core_parallel>, #tpu.dimension_semantics<subcore_parallel>], iteration_bounds = array<i64: 2, 16>, scalar_prefetch = 0 : i64, scratch_operands = 3 : i64, tpu.core_type = #tpu.core_type<sc_vector_subcore>, window_params = [{transform_indices = #map}, {transform_indices = #map1}, {transform_indices = #map}]} {
    %mul3A = arith.constant 2 : i32
    %mul3A_0 = arith.muli %arg1, %mul3A : i32
    %add3A = arith.addi %mul3A_0, %arg0 : i32
    %scan3A = arith.constant 0 : i32
    %scan3A_1 = arith.constant 0 : i32
    %scan3A_2 = arith.constant 4 : i32
    %scan3A_3 = arith.addi %scan3A_1, %scan3A_2 : i32
    %scan3A_4 = arith.constant 1 : i32
    scf.for %scan3A_6 = %scan3A_1 to %scan3A_3 step %scan3A_4  : i32 {
      %mul3A_7 = arith.constant 512 : i32
      %mul3A_8 = arith.muli %add3A, %mul3A_7 : i32
      %mul3A_9 = arith.constant 128 : i32
      %mul3A_10 = arith.muli %scan3A_6, %mul3A_9 : i32
      %add3A_11 = arith.addi %mul3A_8, %mul3A_10 : i32
      "tpu.region"() ({
        %run_scoped3A = tpu.sem_alloc : memref<!tpu.dma_semaphore, #tpu.memory_space<semaphore_mem>>
        %dma_start3A_16 = tpu.memref_slice %arg3[%add3A_11] : memref<16384xi32, #tpu.memory_space<hbm>> -> memref<128xi32, #tpu.memory_space<hbm>>
        %dma_start3A_17 = tpu.memref_slice %arg3[%add3A_11] : memref<16384xi32, #tpu.memory_space<hbm>> -> memref<128xi32, #tpu.memory_space<hbm>>
        tpu.enqueue_dma source(%dma_start3A_17 : memref<128xi32, #tpu.memory_space<hbm>>) target(%arg5 : memref<128xi32, #tpu.memory_space<vmem>>) target_semaphore(%run_scoped3A : memref<!tpu.dma_semaphore, #tpu.memory_space<semaphore_mem>>)
        %dma_wait3A_18 = tpu.memref_slice %arg3[%add3A_11] : memref<16384xi32, #tpu.memory_space<hbm>> -> memref<128xi32, #tpu.memory_space<hbm>>
        %dma_wait3A_19 = tpu.memref_slice %arg3[%add3A_11] : memref<16384xi32, #tpu.memory_space<hbm>> -> memref<128xi32, #tpu.memory_space<hbm>>
        tpu.wait_dma2 semaphore(%run_scoped3A : memref<!tpu.dma_semaphore, #tpu.memory_space<semaphore_mem>>) src(%dma_wait3A_19 : memref<128xi32, #tpu.memory_space<hbm>>) dst(%arg5 : memref<128xi32, #tpu.memory_space<vmem>>)
        tpu.yield
      }) : () -> ()
      %dma_start3A = arith.constant 0 : i32
      %dma_start3A_12 = arith.constant 0 : i32
      %dma_start3A_13 = tpu.memref_slice %arg2[%dma_start3A, %dma_start3A_12] : memref<2048x128xf32, #tpu.memory_space<hbm>> -> memref<2048x128xf32, #tpu.memory_space<hbm>>
      tpu.enqueue_indirect_dma source(%dma_start3A_13 : memref<2048x128xf32, #tpu.memory_space<hbm>>) target(%arg6 : memref<128x128xf32, #tpu.memory_space<vmem>>) offsets(%arg5 : memref<128xi32, #tpu.memory_space<vmem>>) semaphore(%arg7 : memref<!tpu.dma_semaphore, #tpu.memory_space<semaphore_mem>>)
      %dma_wait3A = arith.constant 0 : i32
      %dma_wait3A_14 = arith.constant 0 : i32
      %dma_wait3A_15 = tpu.memref_slice %arg2[%dma_wait3A, %dma_wait3A_14] : memref<2048x128xf32, #tpu.memory_space<hbm>> -> memref<2048x128xf32, #tpu.memory_space<hbm>>
      tpu.wait_indirect_dma semaphore(%arg7 : memref<!tpu.dma_semaphore, #tpu.memory_space<semaphore_mem>>) src(%dma_wait3A_15 : memref<2048x128xf32, #tpu.memory_space<hbm>>) dst(%arg6 : memref<128x128xf32, #tpu.memory_space<vmem>>)
      "tpu.region"() ({
        %run_scoped3A = tpu.sem_alloc : memref<!tpu.dma_semaphore, #tpu.memory_space<semaphore_mem>>
        %dma_start3A_16 = arith.constant 0 : i32
        %dma_start3A_17 = tpu.memref_slice %arg4[%add3A_11, %dma_start3A_16] : memref<16384x128xf32, #tpu.memory_space<hbm>> -> memref<128x128xf32, #tpu.memory_space<hbm>>
        %dma_start3A_18 = arith.constant 0 : i32
        %dma_start3A_19 = tpu.memref_slice %arg4[%add3A_11, %dma_start3A_18] : memref<16384x128xf32, #tpu.memory_space<hbm>> -> memref<128x128xf32, #tpu.memory_space<hbm>>
        tpu.enqueue_dma source(%arg6 : memref<128x128xf32, #tpu.memory_space<vmem>>) target(%dma_start3A_19 : memref<128x128xf32, #tpu.memory_space<hbm>>) target_semaphore(%run_scoped3A : memref<!tpu.dma_semaphore, #tpu.memory_space<semaphore_mem>>)
        %dma_wait3A_20 = arith.constant 0 : i32
        %dma_wait3A_21 = tpu.memref_slice %arg4[%add3A_11, %dma_wait3A_20] : memref<16384x128xf32, #tpu.memory_space<hbm>> -> memref<128x128xf32, #tpu.memory_space<hbm>>
        %dma_wait3A_22 = arith.constant 0 : i32
        %dma_wait3A_23 = tpu.memref_slice %arg4[%add3A_11, %dma_wait3A_22] : memref<16384x128xf32, #tpu.memory_space<hbm>> -> memref<128x128xf32, #tpu.memory_space<hbm>>
        tpu.wait_dma2 semaphore(%run_scoped3A : memref<!tpu.dma_semaphore, #tpu.memory_space<semaphore_mem>>) src(%arg6 : memref<128x128xf32, #tpu.memory_space<vmem>>) dst(%dma_wait3A_23 : memref<128x128xf32, #tpu.memory_space<hbm>>)
        tpu.yield
      }) : () -> ()
    }
    %scan3A_5 = arith.constant 4 : i32
    return
  }
}

module attributes {stable_mosaic.version = 14 : i64} {
  func.func @_fps_body(%arg0: i32, %arg1: memref<1x3x128x128xf32, #tpu.memory_space<vmem>>, %arg2: memref<1x8x128xi32, #tpu.memory_space<vmem>>, %arg3: memref<1x3x8x128xf32, #tpu.memory_space<vmem>>) attributes {dimension_semantics = [#tpu.dimension_semantics<arbitrary>], iteration_bounds = array<i64: 2>, scalar_prefetch = 0 : i64, scratch_operands = 0 : i64, tpu.core_type = #tpu.core_type<tc>, window_params = [{transform_indices = @transform_0, window_bounds = array<i64: 1, 3, 128, 128>}, {transform_indices = @transform_1, window_bounds = array<i64: 1, 8, 128>}, {transform_indices = @transform_2, window_bounds = array<i64: 1, 3, 8, 128>}]} {
    %get3A = arith.constant 0 : index
    %get3A_0 = arith.constant 0 : index
    %get3A_1 = arith.constant 0 : index
    %get3A_2 = arith.constant 0 : index
    %get3A_3 = vector.load %arg1[%get3A, %get3A_0, %get3A_1, %get3A_2] : memref<1x3x128x128xf32, #tpu.memory_space<vmem>>, vector<1x1x128x128xf32>
    %get3A_4 = vector.shape_cast %get3A_3 : vector<1x1x128x128xf32> to vector<128x128xf32>
    %get3A_5 = arith.constant 0 : index
    %get3A_6 = arith.constant 1 : index
    %get3A_7 = arith.constant 0 : index
    %get3A_8 = arith.constant 0 : index
    %get3A_9 = vector.load %arg1[%get3A_5, %get3A_6, %get3A_7, %get3A_8] : memref<1x3x128x128xf32, #tpu.memory_space<vmem>>, vector<1x1x128x128xf32>
    %get3A_10 = vector.shape_cast %get3A_9 : vector<1x1x128x128xf32> to vector<128x128xf32>
    %get3A_11 = arith.constant 0 : index
    %get3A_12 = arith.constant 2 : index
    %get3A_13 = arith.constant 0 : index
    %get3A_14 = arith.constant 0 : index
    %get3A_15 = vector.load %arg1[%get3A_11, %get3A_12, %get3A_13, %get3A_14] : memref<1x3x128x128xf32, #tpu.memory_space<vmem>>, vector<1x1x128x128xf32>
    %get3A_16 = vector.shape_cast %get3A_15 : vector<1x1x128x128xf32> to vector<128x128xf32>
    %iota3A = tpu.iota {dimensions = array<i32: 0>} : vector<128x128xi32>
    %mul3A = arith.constant 128 : i32
    %mul3A_17 = vector.broadcast %mul3A : i32 to vector<128x128xi32>
    %mul3A_18 = arith.muli %iota3A, %mul3A_17 : vector<128x128xi32>
    %iota3A_19 = tpu.iota {dimensions = array<i32: 1>} : vector<128x128xi32>
    %add3A = arith.addi %mul3A_18, %iota3A_19 : vector<128x128xi32>
    %iota3A_20 = tpu.iota {dimensions = array<i32: 0>} : vector<8x128xi32>
    %mul3A_21 = arith.constant 128 : i32
    %mul3A_22 = vector.broadcast %mul3A_21 : i32 to vector<8x128xi32>
    %mul3A_23 = arith.muli %iota3A_20, %mul3A_22 : vector<8x128xi32>
    %iota3A_24 = tpu.iota {dimensions = array<i32: 1>} : vector<8x128xi32>
    %add3A_25 = arith.addi %mul3A_23, %iota3A_24 : vector<8x128xi32>
    %broadcast_in_dim3A = arith.constant 1.000000e+10 : f32
    %broadcast_in_dim3A_26 = vector.broadcast %broadcast_in_dim3A : f32 to vector<128x128xf32>
    %broadcast_in_dim3A_27 = arith.constant 0 : i32
    %broadcast_in_dim3A_28 = vector.broadcast %broadcast_in_dim3A_27 : i32 to vector<8x128xi32>
    %broadcast_in_dim3A_29 = arith.constant 0.000000e+00 : f32
    %broadcast_in_dim3A_30 = vector.broadcast %broadcast_in_dim3A_29 : f32 to vector<8x128xf32>
    %broadcast_in_dim3A_31 = arith.constant 0.000000e+00 : f32
    %broadcast_in_dim3A_32 = vector.broadcast %broadcast_in_dim3A_31 : f32 to vector<8x128xf32>
    %broadcast_in_dim3A_33 = arith.constant 0.000000e+00 : f32
    %broadcast_in_dim3A_34 = vector.broadcast %broadcast_in_dim3A_33 : f32 to vector<8x128xf32>
    %scan3A = arith.constant 16385 : i32
    %scan3A_35 = arith.constant 0 : i32
    %scan3A_36 = arith.constant 0 : i32
    %scan3A_37 = arith.constant 1024 : i32
    %scan3A_38 = arith.addi %scan3A_36, %scan3A_37 : i32
    %scan3A_39 = arith.constant 1 : i32
    %scan3A_40:6 = scf.for %scan3A_68 = %scan3A_36 to %scan3A_38 step %scan3A_39 iter_args(%scan3A_69 = %broadcast_in_dim3A_26, %scan3A_70 = %scan3A_35, %scan3A_71 = %broadcast_in_dim3A_28, %scan3A_72 = %broadcast_in_dim3A_30, %scan3A_73 = %broadcast_in_dim3A_32, %scan3A_74 = %broadcast_in_dim3A_34) -> (vector<128x128xf32>, i32, vector<8x128xi32>, vector<8x128xf32>, vector<8x128xf32>, vector<8x128xf32>)  : i32 {
      %eq3A = vector.broadcast %scan3A_70 : i32 to vector<128x128xi32>
      %eq3A_75 = arith.cmpi eq, %add3A, %eq3A : vector<128x128xi32>
      %jit3A = arith.constant 0.000000e+00 : f32
      %broadcast_in_dim3A_76 = vector.broadcast %jit3A : f32 to vector<128x128xf32>
      %select_n3A = arith.select %eq3A_75, %get3A_4, %broadcast_in_dim3A_76 : vector<128x128xi1>, vector<128x128xf32>
      %reduce_sum3A = vector.shape_cast %select_n3A : vector<128x128xf32> to vector<1x128x128xf32>
      %reduce_sum3A_77 = arith.constant dense<0.000000e+00> : vector<1xf32>
      %reduce_sum3A_78 = vector.multi_reduction <add>, %reduce_sum3A, %reduce_sum3A_77 [1, 2] : vector<1x128x128xf32> to vector<1xf32>
      %reduce_sum3A_79 = vector.shape_cast %reduce_sum3A_78 : vector<1xf32> to vector<1x1x1xf32>
      %reduce_sum3A_80 = vector.extract %reduce_sum3A_79[0, 0, 0] : f32 from vector<1x1x1xf32>
      %jit3A_81 = arith.constant 0.000000e+00 : f32
      %broadcast_in_dim3A_82 = vector.broadcast %jit3A_81 : f32 to vector<128x128xf32>
      %select_n3A_83 = arith.select %eq3A_75, %get3A_10, %broadcast_in_dim3A_82 : vector<128x128xi1>, vector<128x128xf32>
      %reduce_sum3A_84 = vector.shape_cast %select_n3A_83 : vector<128x128xf32> to vector<1x128x128xf32>
      %reduce_sum3A_85 = arith.constant dense<0.000000e+00> : vector<1xf32>
      %reduce_sum3A_86 = vector.multi_reduction <add>, %reduce_sum3A_84, %reduce_sum3A_85 [1, 2] : vector<1x128x128xf32> to vector<1xf32>
      %reduce_sum3A_87 = vector.shape_cast %reduce_sum3A_86 : vector<1xf32> to vector<1x1x1xf32>
      %reduce_sum3A_88 = vector.extract %reduce_sum3A_87[0, 0, 0] : f32 from vector<1x1x1xf32>
      %jit3A_89 = arith.constant 0.000000e+00 : f32
      %broadcast_in_dim3A_90 = vector.broadcast %jit3A_89 : f32 to vector<128x128xf32>
      %select_n3A_91 = arith.select %eq3A_75, %get3A_16, %broadcast_in_dim3A_90 : vector<128x128xi1>, vector<128x128xf32>
      %reduce_sum3A_92 = vector.shape_cast %select_n3A_91 : vector<128x128xf32> to vector<1x128x128xf32>
      %reduce_sum3A_93 = arith.constant dense<0.000000e+00> : vector<1xf32>
      %reduce_sum3A_94 = vector.multi_reduction <add>, %reduce_sum3A_92, %reduce_sum3A_93 [1, 2] : vector<1x128x128xf32> to vector<1xf32>
      %reduce_sum3A_95 = vector.shape_cast %reduce_sum3A_94 : vector<1xf32> to vector<1x1x1xf32>
      %reduce_sum3A_96 = vector.extract %reduce_sum3A_95[0, 0, 0] : f32 from vector<1x1x1xf32>
      %sub3A = vector.broadcast %reduce_sum3A_80 : f32 to vector<128x128xf32>
      %sub3A_97 = arith.subf %get3A_4, %sub3A : vector<128x128xf32>
      %integer_pow3A = arith.mulf %sub3A_97, %sub3A_97 : vector<128x128xf32>
      %sub3A_98 = vector.broadcast %reduce_sum3A_88 : f32 to vector<128x128xf32>
      %sub3A_99 = arith.subf %get3A_10, %sub3A_98 : vector<128x128xf32>
      %integer_pow3A_100 = arith.mulf %sub3A_99, %sub3A_99 : vector<128x128xf32>
      %add3A_101 = arith.addf %integer_pow3A, %integer_pow3A_100 : vector<128x128xf32>
      %sub3A_102 = vector.broadcast %reduce_sum3A_96 : f32 to vector<128x128xf32>
      %sub3A_103 = arith.subf %get3A_16, %sub3A_102 : vector<128x128xf32>
      %integer_pow3A_104 = arith.mulf %sub3A_103, %sub3A_103 : vector<128x128xf32>
      %add3A_105 = arith.addf %add3A_101, %integer_pow3A_104 : vector<128x128xf32>
      %min3A = arith.minimumf %scan3A_69, %add3A_105 : vector<128x128xf32>
      %reduce_max3A = vector.shape_cast %min3A : vector<128x128xf32> to vector<1x128x128xf32>
      %reduce_max3A_106 = arith.constant dense<0xFF800000> : vector<1xf32>
      %reduce_max3A_107 = vector.multi_reduction <maximumf>, %reduce_max3A, %reduce_max3A_106 [1, 2] : vector<1x128x128xf32> to vector<1xf32>
      %reduce_max3A_108 = vector.shape_cast %reduce_max3A_107 : vector<1xf32> to vector<1x1x1xf32>
      %reduce_max3A_109 = vector.extract %reduce_max3A_108[0, 0, 0] : f32 from vector<1x1x1xf32>
      %eq3A_110 = vector.broadcast %reduce_max3A_109 : f32 to vector<128x128xf32>
      %eq3A_111 = arith.cmpf oeq, %min3A, %eq3A_110 : vector<128x128xf32>
      %broadcast_in_dim3A_112 = vector.broadcast %scan3A : i32 to vector<128x128xi32>
      %select_n3A_113 = arith.select %eq3A_111, %add3A, %broadcast_in_dim3A_112 : vector<128x128xi1>, vector<128x128xi32>
      %reduce_min3A = vector.shape_cast %select_n3A_113 : vector<128x128xi32> to vector<1x128x128xi32>
      %reduce_min3A_114 = arith.constant dense<2147483647> : vector<1xi32>
      %reduce_min3A_115 = vector.multi_reduction <minsi>, %reduce_min3A, %reduce_min3A_114 [1, 2] : vector<1x128x128xi32> to vector<1xi32>
      %reduce_min3A_116 = vector.shape_cast %reduce_min3A_115 : vector<1xi32> to vector<1x1x1xi32>
      %reduce_min3A_117 = vector.extract %reduce_min3A_116[0, 0, 0] : i32 from vector<1x1x1xi32>
      %eq3A_118 = vector.broadcast %scan3A_68 : i32 to vector<8x128xi32>
      %eq3A_119 = arith.cmpi eq, %add3A_25, %eq3A_118 : vector<8x128xi32>
      %broadcast_in_dim3A_120 = vector.broadcast %scan3A_70 : i32 to vector<8x128xi32>
      %select_n3A_121 = arith.select %eq3A_119, %broadcast_in_dim3A_120, %scan3A_71 : vector<8x128xi1>, vector<8x128xi32>
      %broadcast_in_dim3A_122 = vector.broadcast %reduce_sum3A_80 : f32 to vector<8x128xf32>
      %select_n3A_123 = arith.select %eq3A_119, %broadcast_in_dim3A_122, %scan3A_72 : vector<8x128xi1>, vector<8x128xf32>
      %broadcast_in_dim3A_124 = vector.broadcast %reduce_sum3A_88 : f32 to vector<8x128xf32>
      %select_n3A_125 = arith.select %eq3A_119, %broadcast_in_dim3A_124, %scan3A_73 : vector<8x128xi1>, vector<8x128xf32>
      %broadcast_in_dim3A_126 = vector.broadcast %reduce_sum3A_96 : f32 to vector<8x128xf32>
      %select_n3A_127 = arith.select %eq3A_119, %broadcast_in_dim3A_126, %scan3A_74 : vector<8x128xi1>, vector<8x128xf32>
      scf.yield %min3A, %reduce_min3A_117, %select_n3A_121, %select_n3A_123, %select_n3A_125, %select_n3A_127 : vector<128x128xf32>, i32, vector<8x128xi32>, vector<8x128xf32>, vector<8x128xf32>, vector<8x128xf32>
    }
    %scan3A_41 = arith.constant 1024 : i32
    %swap3A = arith.constant 0 : index
    %swap3A_42 = arith.constant 0 : index
    %swap3A_43 = arith.constant 0 : index
    %swap3A_44 = vector.load %arg2[%swap3A, %swap3A_42, %swap3A_43] : memref<1x8x128xi32, #tpu.memory_space<vmem>>, vector<1x8x128xi32>
    %swap3A_45 = vector.shape_cast %swap3A_44 : vector<1x8x128xi32> to vector<8x128xi32>
    %swap3A_46 = vector.shape_cast %scan3A_40#2 : vector<8x128xi32> to vector<1x8x128xi32>
    tpu.vector_store %arg2[%swap3A, %swap3A_42, %swap3A_43], %swap3A_46 {strides = array<i32>} : memref<1x8x128xi32, #tpu.memory_space<vmem>>, vector<1x8x128xi32>,
    %swap3A_47 = arith.constant 0 : index
    %swap3A_48 = arith.constant 0 : index
    %swap3A_49 = arith.constant 0 : index
    %swap3A_50 = arith.constant 0 : index
    %swap3A_51 = vector.load %arg3[%swap3A_47, %swap3A_48, %swap3A_49, %swap3A_50] : memref<1x3x8x128xf32, #tpu.memory_space<vmem>>, vector<1x1x8x128xf32>
    %swap3A_52 = vector.shape_cast %swap3A_51 : vector<1x1x8x128xf32> to vector<8x128xf32>
    %swap3A_53 = vector.shape_cast %scan3A_40#3 : vector<8x128xf32> to vector<1x1x8x128xf32>
    tpu.vector_store %arg3[%swap3A_47, %swap3A_48, %swap3A_49, %swap3A_50], %swap3A_53 {strides = array<i32>} : memref<1x3x8x128xf32, #tpu.memory_space<vmem>>, vector<1x1x8x128xf32>,
    %swap3A_54 = arith.constant 0 : index
    %swap3A_55 = arith.constant 1 : index
    %swap3A_56 = arith.constant 0 : index
    %swap3A_57 = arith.constant 0 : index
    %swap3A_58 = vector.load %arg3[%swap3A_54, %swap3A_55, %swap3A_56, %swap3A_57] : memref<1x3x8x128xf32, #tpu.memory_space<vmem>>, vector<1x1x8x128xf32>
    %swap3A_59 = vector.shape_cast %swap3A_58 : vector<1x1x8x128xf32> to vector<8x128xf32>
    %swap3A_60 = vector.shape_cast %scan3A_40#4 : vector<8x128xf32> to vector<1x1x8x128xf32>
    tpu.vector_store %arg3[%swap3A_54, %swap3A_55, %swap3A_56, %swap3A_57], %swap3A_60 {strides = array<i32>} : memref<1x3x8x128xf32, #tpu.memory_space<vmem>>, vector<1x1x8x128xf32>,
    %swap3A_61 = arith.constant 0 : index
    %swap3A_62 = arith.constant 2 : index
    %swap3A_63 = arith.constant 0 : index
    %swap3A_64 = arith.constant 0 : index
    %swap3A_65 = vector.load %arg3[%swap3A_61, %swap3A_62, %swap3A_63, %swap3A_64] : memref<1x3x8x128xf32, #tpu.memory_space<vmem>>, vector<1x1x8x128xf32>
    %swap3A_66 = vector.shape_cast %swap3A_65 : vector<1x1x8x128xf32> to vector<8x128xf32>
    %swap3A_67 = vector.shape_cast %scan3A_40#5 : vector<8x128xf32> to vector<1x1x8x128xf32>
    tpu.vector_store %arg3[%swap3A_61, %swap3A_62, %swap3A_63, %swap3A_64], %swap3A_67 {strides = array<i32>} : memref<1x3x8x128xf32, #tpu.memory_space<vmem>>, vector<1x1x8x128xf32>,
    return
  }
  func.func @transform_0(%arg0: i32) -> (i32, i32, i32, i32) {
    %c0_i32 = arith.constant 0 : i32
    %c0_i32_0 = arith.constant 0 : i32
    %c0_i32_1 = arith.constant 0 : i32
    %c0_i32_2 = arith.constant 0 : i32
    return %arg0, %c0_i32, %c0_i32_0, %c0_i32_1 : i32, i32, i32, i32
  }
  func.func @transform_1(%arg0: i32) -> (i32, i32, i32) {
    %c0_i32 = arith.constant 0 : i32
    %c0_i32_0 = arith.constant 0 : i32
    %c0_i32_1 = arith.constant 0 : i32
    return %arg0, %c0_i32, %c0_i32_0 : i32, i32, i32
  }
  func.func @transform_2(%arg0: i32) -> (i32, i32, i32, i32) {
    %c0_i32 = arith.constant 0 : i32
    %c0_i32_0 = arith.constant 0 : i32
    %c0_i32_1 = arith.constant 0 : i32
    %c0_i32_2 = arith.constant 0 : i32
    return %arg0, %c0_i32, %c0_i32_0, %c0_i32_1 : i32, i32, i32, i32
  }
}

module attributes {stable_mosaic.version = 14 : i64} {
  func.func @_dist_body(%arg0: i32, %arg1: i32, %arg2: i32, %arg3: memref<1x3x256xf32, #tpu.memory_space<vmem>>, %arg4: memref<1x3x2048xf32, #tpu.memory_space<vmem>>, %arg5: memref<1x256x2048xf32, #tpu.memory_space<vmem>>) attributes {dimension_semantics = [#tpu.dimension_semantics<arbitrary>, #tpu.dimension_semantics<arbitrary>, #tpu.dimension_semantics<arbitrary>], iteration_bounds = array<i64: 2, 4, 8>, scalar_prefetch = 0 : i64, scratch_operands = 0 : i64, tpu.core_type = #tpu.core_type<tc>, window_params = [{transform_indices = @transform_0, window_bounds = array<i64: 1, 3, 256>}, {transform_indices = @transform_1, window_bounds = array<i64: 1, 3, 2048>}, {transform_indices = @transform_2, window_bounds = array<i64: 1, 256, 2048>}]} {
    %get3A = arith.constant 0 : index
    %get3A_0 = arith.constant 0 : index
    %get3A_1 = arith.constant 0 : index
    %get3A_2 = vector.load %arg3[%get3A, %get3A_0, %get3A_1] : memref<1x3x256xf32, #tpu.memory_space<vmem>>, vector<1x3x256xf32>
    %get3A_3 = vector.shape_cast %get3A_2 : vector<1x3x256xf32> to vector<3x256xf32>
    %get3A_4 = arith.constant 0 : index
    %get3A_5 = arith.constant 0 : index
    %get3A_6 = arith.constant 0 : index
    %get3A_7 = vector.load %arg4[%get3A_4, %get3A_5, %get3A_6] : memref<1x3x2048xf32, #tpu.memory_space<vmem>>, vector<1x3x2048xf32>
    %get3A_8 = vector.shape_cast %get3A_7 : vector<1x3x2048xf32> to vector<3x2048xf32>
    %mul3A = arith.mulf %get3A_3, %get3A_3 : vector<3x256xf32>
    %reduce_sum3A = arith.constant dense<0.000000e+00> : vector<256xf32>
    %reduce_sum3A_9 = vector.multi_reduction <add>, %mul3A, %reduce_sum3A [0] : vector<3x256xf32> to vector<256xf32>
    %broadcast_in_dim3A = vector.shape_cast %reduce_sum3A_9 : vector<256xf32> to vector<1x256xf32>
    %mul3A_10 = arith.mulf %get3A_8, %get3A_8 : vector<3x2048xf32>
    %reduce_sum3A_11 = arith.constant dense<0.000000e+00> : vector<2048xf32>
    %reduce_sum3A_12 = vector.multi_reduction <add>, %mul3A_10, %reduce_sum3A_11 [0] : vector<3x2048xf32> to vector<2048xf32>
    %broadcast_in_dim3A_13 = vector.shape_cast %reduce_sum3A_12 : vector<2048xf32> to vector<1x2048xf32>
    %broadcast_in_dim3A_14 = arith.constant 1.000000e+00 : f32
    %broadcast_in_dim3A_15 = vector.broadcast %broadcast_in_dim3A_14 : f32 to vector<1x256xf32>
    %broadcast_in_dim3A_16 = arith.constant 1.000000e+00 : f32
    %broadcast_in_dim3A_17 = vector.broadcast %broadcast_in_dim3A_16 : f32 to vector<1x2048xf32>
    %concatenate3A = tpu.concatenate %get3A_3, %broadcast_in_dim3A, %broadcast_in_dim3A_15 in 0 : vector<3x256xf32>, vector<1x256xf32>, vector<1x256xf32> -> vector<5x256xf32>
    %mul3A_18 = arith.constant -2.000000e+00 : f32
    %mul3A_19 = vector.broadcast %mul3A_18 : f32 to vector<3x2048xf32>
    %mul3A_20 = arith.mulf %mul3A_19, %get3A_8 : vector<3x2048xf32>
    %concatenate3A_21 = tpu.concatenate %mul3A_20, %broadcast_in_dim3A_17, %broadcast_in_dim3A_13 in 0 : vector<3x2048xf32>, vector<1x2048xf32>, vector<1x2048xf32> -> vector<5x2048xf32>
    %dot_general3A = arith.constant dense<0.000000e+00> : vector<256x2048xf32>
    %dot_general3A_22 = tpu.matmul %concatenate3A, %concatenate3A_21, %dot_general3A {dimension_numbers = #tpu.dot_dimension_numbers<[0], [0], [1], [1], [0, 1, 1, 1], [], []>, transpose_lhs_hint = false} : vector<5x256xf32>, vector<5x2048xf32>, vector<256x2048xf32> -> vector<256x2048xf32>
    %swap3A = arith.constant 0 : index
    %swap3A_23 = arith.constant 0 : index
    %swap3A_24 = arith.constant 0 : index
    %swap3A_25 = vector.load %arg5[%swap3A, %swap3A_23, %swap3A_24] : memref<1x256x2048xf32, #tpu.memory_space<vmem>>, vector<1x256x2048xf32>
    %swap3A_26 = vector.shape_cast %swap3A_25 : vector<1x256x2048xf32> to vector<256x2048xf32>
    %swap3A_27 = vector.shape_cast %dot_general3A_22 : vector<256x2048xf32> to vector<1x256x2048xf32>
    tpu.vector_store %arg5[%swap3A, %swap3A_23, %swap3A_24], %swap3A_27 {strides = array<i32>} : memref<1x256x2048xf32, #tpu.memory_space<vmem>>, vector<1x256x2048xf32>,
    return
  }
  func.func @transform_0(%arg0: i32, %arg1: i32, %arg2: i32) -> (i32, i32, i32) {
    %c0_i32 = arith.constant 0 : i32
    %c0_i32_0 = arith.constant 0 : i32
    return %arg0, %c0_i32, %arg1 : i32, i32, i32
  }
  func.func @transform_1(%arg0: i32, %arg1: i32, %arg2: i32) -> (i32, i32, i32) {
    %c0_i32 = arith.constant 0 : i32
    %c0_i32_0 = arith.constant 0 : i32
    return %arg0, %c0_i32, %arg2 : i32, i32, i32
  }
  func.func @transform_2(%arg0: i32, %arg1: i32, %arg2: i32) -> (i32, i32, i32) {
    %c0_i32 = arith.constant 0 : i32
    return %arg0, %arg1, %arg2 : i32, i32, i32
  }
}

module attributes {stable_mosaic.version = 14 : i64} {
  func.func @_proj_body(%arg0: i32, %arg1: i32, %arg2: memref<1x3x2048xf32, #tpu.memory_space<vmem>>, %arg3: memref<3x128xf32, #tpu.memory_space<vmem>>, %arg4: memref<1x128xf32, #tpu.memory_space<vmem>>, %arg5: memref<1x2048x128xf32, #tpu.memory_space<vmem>>) attributes {dimension_semantics = [#tpu.dimension_semantics<arbitrary>, #tpu.dimension_semantics<arbitrary>], iteration_bounds = array<i64: 2, 8>, scalar_prefetch = 0 : i64, scratch_operands = 0 : i64, tpu.core_type = #tpu.core_type<tc>, window_params = [{transform_indices = @transform_0, window_bounds = array<i64: 1, 3, 2048>}, {pipeline_mode = #tpu.pipeline_mode<synchronous>, transform_indices = @transform_1, window_bounds = array<i64: 3, 128>}, {pipeline_mode = #tpu.pipeline_mode<synchronous>, transform_indices = @transform_2, window_bounds = array<i64: 1, 128>}, {transform_indices = @transform_3, window_bounds = array<i64: 1, 2048, 128>}]} {
    %get3A = arith.constant 0 : index
    %get3A_0 = arith.constant 0 : index
    %get3A_1 = arith.constant 0 : index
    %get3A_2 = vector.load %arg2[%get3A, %get3A_0, %get3A_1] : memref<1x3x2048xf32, #tpu.memory_space<vmem>>, vector<1x3x2048xf32>
    %get3A_3 = vector.shape_cast %get3A_2 : vector<1x3x2048xf32> to vector<3x2048xf32>
    %get3A_4 = arith.constant 0 : index
    %get3A_5 = arith.constant 0 : index
    %get3A_6 = vector.load %arg3[%get3A_4, %get3A_5] : memref<3x128xf32, #tpu.memory_space<vmem>>, vector<3x128xf32>
    %dot_general3A = arith.constant dense<0.000000e+00> : vector<2048x128xf32>
    %dot_general3A_7 = tpu.matmul %get3A_3, %get3A_6, %dot_general3A {dimension_numbers = #tpu.dot_dimension_numbers<[0], [0], [1], [1], [0, 1, 1, 1], [], []>, transpose_lhs_hint = false} : vector<3x2048xf32>, vector<3x128xf32>, vector<2048x128xf32> -> vector<2048x128xf32>
    %get3A_8 = arith.constant 0 : index
    %get3A_9 = arith.constant 0 : index
    %get3A_10 = vector.load %arg4[%get3A_8, %get3A_9] : memref<1x128xf32, #tpu.memory_space<vmem>>, vector<1x128xf32>
    %add3A = vector.broadcast %get3A_10 : vector<1x128xf32> to vector<2048x128xf32>
    %add3A_11 = arith.addf %dot_general3A_7, %add3A : vector<2048x128xf32>
    %swap3A = arith.constant 0 : index
    %swap3A_12 = arith.constant 0 : index
    %swap3A_13 = arith.constant 0 : index
    %swap3A_14 = vector.load %arg5[%swap3A, %swap3A_12, %swap3A_13] : memref<1x2048x128xf32, #tpu.memory_space<vmem>>, vector<1x2048x128xf32>
    %swap3A_15 = vector.shape_cast %swap3A_14 : vector<1x2048x128xf32> to vector<2048x128xf32>
    %swap3A_16 = vector.shape_cast %add3A_11 : vector<2048x128xf32> to vector<1x2048x128xf32>
    tpu.vector_store %arg5[%swap3A, %swap3A_12, %swap3A_13], %swap3A_16 {strides = array<i32>} : memref<1x2048x128xf32, #tpu.memory_space<vmem>>, vector<1x2048x128xf32>,
    return
  }
  func.func @transform_0(%arg0: i32, %arg1: i32) -> (i32, i32, i32) {
    %c0_i32 = arith.constant 0 : i32
    %c0_i32_0 = arith.constant 0 : i32
    return %arg0, %c0_i32, %arg1 : i32, i32, i32
  }
  func.func @transform_1(%arg0: i32, %arg1: i32) -> (i32, i32) {
    %c0_i32 = arith.constant 0 : i32
    %c0_i32_0 = arith.constant 0 : i32
    %c0_i32_1 = arith.constant 0 : i32
    return %c0_i32, %c0_i32_0 : i32, i32
  }
  func.func @transform_2(%arg0: i32, %arg1: i32) -> (i32, i32) {
    %c0_i32 = arith.constant 0 : i32
    %c0_i32_0 = arith.constant 0 : i32
    %c0_i32_1 = arith.constant 0 : i32
    return %c0_i32, %c0_i32_0 : i32, i32
  }
  func.func @transform_3(%arg0: i32, %arg1: i32) -> (i32, i32, i32) {
    %c0_i32 = arith.constant 0 : i32
    %c0_i32_0 = arith.constant 0 : i32
    return %arg0, %arg1, %c0_i32 : i32, i32, i32
  }
}

module attributes {stable_mosaic.version = 14 : i64} {
  func.func @_fps_body(%arg0: i32, %arg1: memref<1x3x8x128xf32, #tpu.memory_space<vmem>>, %arg2: memref<1x2x128xi32, #tpu.memory_space<vmem>>, %arg3: memref<1x3x2x128xf32, #tpu.memory_space<vmem>>) attributes {dimension_semantics = [#tpu.dimension_semantics<arbitrary>], iteration_bounds = array<i64: 2>, scalar_prefetch = 0 : i64, scratch_operands = 0 : i64, tpu.core_type = #tpu.core_type<tc>, window_params = [{transform_indices = @transform_0, window_bounds = array<i64: 1, 3, 8, 128>}, {transform_indices = @transform_1, window_bounds = array<i64: 1, 2, 128>}, {transform_indices = @transform_2, window_bounds = array<i64: 1, 3, 2, 128>}]} {
    %get3A = arith.constant 0 : index
    %get3A_0 = arith.constant 0 : index
    %get3A_1 = arith.constant 0 : index
    %get3A_2 = arith.constant 0 : index
    %get3A_3 = vector.load %arg1[%get3A, %get3A_0, %get3A_1, %get3A_2] : memref<1x3x8x128xf32, #tpu.memory_space<vmem>>, vector<1x1x8x128xf32>
    %get3A_4 = vector.shape_cast %get3A_3 : vector<1x1x8x128xf32> to vector<8x128xf32>
    %get3A_5 = arith.constant 0 : index
    %get3A_6 = arith.constant 1 : index
    %get3A_7 = arith.constant 0 : index
    %get3A_8 = arith.constant 0 : index
    %get3A_9 = vector.load %arg1[%get3A_5, %get3A_6, %get3A_7, %get3A_8] : memref<1x3x8x128xf32, #tpu.memory_space<vmem>>, vector<1x1x8x128xf32>
    %get3A_10 = vector.shape_cast %get3A_9 : vector<1x1x8x128xf32> to vector<8x128xf32>
    %get3A_11 = arith.constant 0 : index
    %get3A_12 = arith.constant 2 : index
    %get3A_13 = arith.constant 0 : index
    %get3A_14 = arith.constant 0 : index
    %get3A_15 = vector.load %arg1[%get3A_11, %get3A_12, %get3A_13, %get3A_14] : memref<1x3x8x128xf32, #tpu.memory_space<vmem>>, vector<1x1x8x128xf32>
    %get3A_16 = vector.shape_cast %get3A_15 : vector<1x1x8x128xf32> to vector<8x128xf32>
    %iota3A = tpu.iota {dimensions = array<i32: 0>} : vector<8x128xi32>
    %mul3A = arith.constant 128 : i32
    %mul3A_17 = vector.broadcast %mul3A : i32 to vector<8x128xi32>
    %mul3A_18 = arith.muli %iota3A, %mul3A_17 : vector<8x128xi32>
    %iota3A_19 = tpu.iota {dimensions = array<i32: 1>} : vector<8x128xi32>
    %add3A = arith.addi %mul3A_18, %iota3A_19 : vector<8x128xi32>
    %iota3A_20 = tpu.iota {dimensions = array<i32: 0>} : vector<2x128xi32>
    %mul3A_21 = arith.constant 128 : i32
    %mul3A_22 = vector.broadcast %mul3A_21 : i32 to vector<2x128xi32>
    %mul3A_23 = arith.muli %iota3A_20, %mul3A_22 : vector<2x128xi32>
    %iota3A_24 = tpu.iota {dimensions = array<i32: 1>} : vector<2x128xi32>
    %add3A_25 = arith.addi %mul3A_23, %iota3A_24 : vector<2x128xi32>
    %broadcast_in_dim3A = arith.constant 1.000000e+10 : f32
    %broadcast_in_dim3A_26 = vector.broadcast %broadcast_in_dim3A : f32 to vector<8x128xf32>
    %broadcast_in_dim3A_27 = arith.constant 0 : i32
    %broadcast_in_dim3A_28 = vector.broadcast %broadcast_in_dim3A_27 : i32 to vector<2x128xi32>
    %broadcast_in_dim3A_29 = arith.constant 0.000000e+00 : f32
    %broadcast_in_dim3A_30 = vector.broadcast %broadcast_in_dim3A_29 : f32 to vector<2x128xf32>
    %broadcast_in_dim3A_31 = arith.constant 0.000000e+00 : f32
    %broadcast_in_dim3A_32 = vector.broadcast %broadcast_in_dim3A_31 : f32 to vector<2x128xf32>
    %broadcast_in_dim3A_33 = arith.constant 0.000000e+00 : f32
    %broadcast_in_dim3A_34 = vector.broadcast %broadcast_in_dim3A_33 : f32 to vector<2x128xf32>
    %scan3A = arith.constant 1025 : i32
    %scan3A_35 = arith.constant 0 : i32
    %scan3A_36 = arith.constant 0 : i32
    %scan3A_37 = arith.constant 256 : i32
    %scan3A_38 = arith.addi %scan3A_36, %scan3A_37 : i32
    %scan3A_39 = arith.constant 1 : i32
    %scan3A_40:6 = scf.for %scan3A_68 = %scan3A_36 to %scan3A_38 step %scan3A_39 iter_args(%scan3A_69 = %broadcast_in_dim3A_26, %scan3A_70 = %scan3A_35, %scan3A_71 = %broadcast_in_dim3A_28, %scan3A_72 = %broadcast_in_dim3A_30, %scan3A_73 = %broadcast_in_dim3A_32, %scan3A_74 = %broadcast_in_dim3A_34) -> (vector<8x128xf32>, i32, vector<2x128xi32>, vector<2x128xf32>, vector<2x128xf32>, vector<2x128xf32>)  : i32 {
      %eq3A = vector.broadcast %scan3A_70 : i32 to vector<8x128xi32>
      %eq3A_75 = arith.cmpi eq, %add3A, %eq3A : vector<8x128xi32>
      %jit3A = arith.constant 0.000000e+00 : f32
      %broadcast_in_dim3A_76 = vector.broadcast %jit3A : f32 to vector<8x128xf32>
      %select_n3A = arith.select %eq3A_75, %get3A_4, %broadcast_in_dim3A_76 : vector<8x128xi1>, vector<8x128xf32>
      %reduce_sum3A = vector.shape_cast %select_n3A : vector<8x128xf32> to vector<1x8x128xf32>
      %reduce_sum3A_77 = arith.constant dense<0.000000e+00> : vector<1xf32>
      %reduce_sum3A_78 = vector.multi_reduction <add>, %reduce_sum3A, %reduce_sum3A_77 [1, 2] : vector<1x8x128xf32> to vector<1xf32>
      %reduce_sum3A_79 = vector.shape_cast %reduce_sum3A_78 : vector<1xf32> to vector<1x1x1xf32>
      %reduce_sum3A_80 = vector.extract %reduce_sum3A_79[0, 0, 0] : f32 from vector<1x1x1xf32>
      %jit3A_81 = arith.constant 0.000000e+00 : f32
      %broadcast_in_dim3A_82 = vector.broadcast %jit3A_81 : f32 to vector<8x128xf32>
      %select_n3A_83 = arith.select %eq3A_75, %get3A_10, %broadcast_in_dim3A_82 : vector<8x128xi1>, vector<8x128xf32>
      %reduce_sum3A_84 = vector.shape_cast %select_n3A_83 : vector<8x128xf32> to vector<1x8x128xf32>
      %reduce_sum3A_85 = arith.constant dense<0.000000e+00> : vector<1xf32>
      %reduce_sum3A_86 = vector.multi_reduction <add>, %reduce_sum3A_84, %reduce_sum3A_85 [1, 2] : vector<1x8x128xf32> to vector<1xf32>
      %reduce_sum3A_87 = vector.shape_cast %reduce_sum3A_86 : vector<1xf32> to vector<1x1x1xf32>
      %reduce_sum3A_88 = vector.extract %reduce_sum3A_87[0, 0, 0] : f32 from vector<1x1x1xf32>
      %jit3A_89 = arith.constant 0.000000e+00 : f32
      %broadcast_in_dim3A_90 = vector.broadcast %jit3A_89 : f32 to vector<8x128xf32>
      %select_n3A_91 = arith.select %eq3A_75, %get3A_16, %broadcast_in_dim3A_90 : vector<8x128xi1>, vector<8x128xf32>
      %reduce_sum3A_92 = vector.shape_cast %select_n3A_91 : vector<8x128xf32> to vector<1x8x128xf32>
      %reduce_sum3A_93 = arith.constant dense<0.000000e+00> : vector<1xf32>
      %reduce_sum3A_94 = vector.multi_reduction <add>, %reduce_sum3A_92, %reduce_sum3A_93 [1, 2] : vector<1x8x128xf32> to vector<1xf32>
      %reduce_sum3A_95 = vector.shape_cast %reduce_sum3A_94 : vector<1xf32> to vector<1x1x1xf32>
      %reduce_sum3A_96 = vector.extract %reduce_sum3A_95[0, 0, 0] : f32 from vector<1x1x1xf32>
      %sub3A = vector.broadcast %reduce_sum3A_80 : f32 to vector<8x128xf32>
      %sub3A_97 = arith.subf %get3A_4, %sub3A : vector<8x128xf32>
      %integer_pow3A = arith.mulf %sub3A_97, %sub3A_97 : vector<8x128xf32>
      %sub3A_98 = vector.broadcast %reduce_sum3A_88 : f32 to vector<8x128xf32>
      %sub3A_99 = arith.subf %get3A_10, %sub3A_98 : vector<8x128xf32>
      %integer_pow3A_100 = arith.mulf %sub3A_99, %sub3A_99 : vector<8x128xf32>
      %add3A_101 = arith.addf %integer_pow3A, %integer_pow3A_100 : vector<8x128xf32>
      %sub3A_102 = vector.broadcast %reduce_sum3A_96 : f32 to vector<8x128xf32>
      %sub3A_103 = arith.subf %get3A_16, %sub3A_102 : vector<8x128xf32>
      %integer_pow3A_104 = arith.mulf %sub3A_103, %sub3A_103 : vector<8x128xf32>
      %add3A_105 = arith.addf %add3A_101, %integer_pow3A_104 : vector<8x128xf32>
      %min3A = arith.minimumf %scan3A_69, %add3A_105 : vector<8x128xf32>
      %reduce_max3A = vector.shape_cast %min3A : vector<8x128xf32> to vector<1x8x128xf32>
      %reduce_max3A_106 = arith.constant dense<0xFF800000> : vector<1xf32>
      %reduce_max3A_107 = vector.multi_reduction <maximumf>, %reduce_max3A, %reduce_max3A_106 [1, 2] : vector<1x8x128xf32> to vector<1xf32>
      %reduce_max3A_108 = vector.shape_cast %reduce_max3A_107 : vector<1xf32> to vector<1x1x1xf32>
      %reduce_max3A_109 = vector.extract %reduce_max3A_108[0, 0, 0] : f32 from vector<1x1x1xf32>
      %eq3A_110 = vector.broadcast %reduce_max3A_109 : f32 to vector<8x128xf32>
      %eq3A_111 = arith.cmpf oeq, %min3A, %eq3A_110 : vector<8x128xf32>
      %broadcast_in_dim3A_112 = vector.broadcast %scan3A : i32 to vector<8x128xi32>
      %select_n3A_113 = arith.select %eq3A_111, %add3A, %broadcast_in_dim3A_112 : vector<8x128xi1>, vector<8x128xi32>
      %reduce_min3A = vector.shape_cast %select_n3A_113 : vector<8x128xi32> to vector<1x8x128xi32>
      %reduce_min3A_114 = arith.constant dense<2147483647> : vector<1xi32>
      %reduce_min3A_115 = vector.multi_reduction <minsi>, %reduce_min3A, %reduce_min3A_114 [1, 2] : vector<1x8x128xi32> to vector<1xi32>
      %reduce_min3A_116 = vector.shape_cast %reduce_min3A_115 : vector<1xi32> to vector<1x1x1xi32>
      %reduce_min3A_117 = vector.extract %reduce_min3A_116[0, 0, 0] : i32 from vector<1x1x1xi32>
      %eq3A_118 = vector.broadcast %scan3A_68 : i32 to vector<2x128xi32>
      %eq3A_119 = arith.cmpi eq, %add3A_25, %eq3A_118 : vector<2x128xi32>
      %broadcast_in_dim3A_120 = vector.broadcast %scan3A_70 : i32 to vector<2x128xi32>
      %select_n3A_121 = arith.select %eq3A_119, %broadcast_in_dim3A_120, %scan3A_71 : vector<2x128xi1>, vector<2x128xi32>
      %broadcast_in_dim3A_122 = vector.broadcast %reduce_sum3A_80 : f32 to vector<2x128xf32>
      %select_n3A_123 = arith.select %eq3A_119, %broadcast_in_dim3A_122, %scan3A_72 : vector<2x128xi1>, vector<2x128xf32>
      %broadcast_in_dim3A_124 = vector.broadcast %reduce_sum3A_88 : f32 to vector<2x128xf32>
      %select_n3A_125 = arith.select %eq3A_119, %broadcast_in_dim3A_124, %scan3A_73 : vector<2x128xi1>, vector<2x128xf32>
      %broadcast_in_dim3A_126 = vector.broadcast %reduce_sum3A_96 : f32 to vector<2x128xf32>
      %select_n3A_127 = arith.select %eq3A_119, %broadcast_in_dim3A_126, %scan3A_74 : vector<2x128xi1>, vector<2x128xf32>
      scf.yield %min3A, %reduce_min3A_117, %select_n3A_121, %select_n3A_123, %select_n3A_125, %select_n3A_127 : vector<8x128xf32>, i32, vector<2x128xi32>, vector<2x128xf32>, vector<2x128xf32>, vector<2x128xf32>
    }
    %scan3A_41 = arith.constant 256 : i32
    %swap3A = arith.constant 0 : index
    %swap3A_42 = arith.constant 0 : index
    %swap3A_43 = arith.constant 0 : index
    %swap3A_44 = vector.load %arg2[%swap3A, %swap3A_42, %swap3A_43] : memref<1x2x128xi32, #tpu.memory_space<vmem>>, vector<1x2x128xi32>
    %swap3A_45 = vector.shape_cast %swap3A_44 : vector<1x2x128xi32> to vector<2x128xi32>
    %swap3A_46 = vector.shape_cast %scan3A_40#2 : vector<2x128xi32> to vector<1x2x128xi32>
    tpu.vector_store %arg2[%swap3A, %swap3A_42, %swap3A_43], %swap3A_46 {strides = array<i32>} : memref<1x2x128xi32, #tpu.memory_space<vmem>>, vector<1x2x128xi32>,
    %swap3A_47 = arith.constant 0 : index
    %swap3A_48 = arith.constant 0 : index
    %swap3A_49 = arith.constant 0 : index
    %swap3A_50 = arith.constant 0 : index
    %swap3A_51 = vector.load %arg3[%swap3A_47, %swap3A_48, %swap3A_49, %swap3A_50] : memref<1x3x2x128xf32, #tpu.memory_space<vmem>>, vector<1x1x2x128xf32>
    %swap3A_52 = vector.shape_cast %swap3A_51 : vector<1x1x2x128xf32> to vector<2x128xf32>
    %swap3A_53 = vector.shape_cast %scan3A_40#3 : vector<2x128xf32> to vector<1x1x2x128xf32>
    tpu.vector_store %arg3[%swap3A_47, %swap3A_48, %swap3A_49, %swap3A_50], %swap3A_53 {strides = array<i32>} : memref<1x3x2x128xf32, #tpu.memory_space<vmem>>, vector<1x1x2x128xf32>,
    %swap3A_54 = arith.constant 0 : index
    %swap3A_55 = arith.constant 1 : index
    %swap3A_56 = arith.constant 0 : index
    %swap3A_57 = arith.constant 0 : index
    %swap3A_58 = vector.load %arg3[%swap3A_54, %swap3A_55, %swap3A_56, %swap3A_57] : memref<1x3x2x128xf32, #tpu.memory_space<vmem>>, vector<1x1x2x128xf32>
    %swap3A_59 = vector.shape_cast %swap3A_58 : vector<1x1x2x128xf32> to vector<2x128xf32>
    %swap3A_60 = vector.shape_cast %scan3A_40#4 : vector<2x128xf32> to vector<1x1x2x128xf32>
    tpu.vector_store %arg3[%swap3A_54, %swap3A_55, %swap3A_56, %swap3A_57], %swap3A_60 {strides = array<i32>} : memref<1x3x2x128xf32, #tpu.memory_space<vmem>>, vector<1x1x2x128xf32>,
    %swap3A_61 = arith.constant 0 : index
    %swap3A_62 = arith.constant 2 : index
    %swap3A_63 = arith.constant 0 : index
    %swap3A_64 = arith.constant 0 : index
    %swap3A_65 = vector.load %arg3[%swap3A_61, %swap3A_62, %swap3A_63, %swap3A_64] : memref<1x3x2x128xf32, #tpu.memory_space<vmem>>, vector<1x1x2x128xf32>
    %swap3A_66 = vector.shape_cast %swap3A_65 : vector<1x1x2x128xf32> to vector<2x128xf32>
    %swap3A_67 = vector.shape_cast %scan3A_40#5 : vector<2x128xf32> to vector<1x1x2x128xf32>
    tpu.vector_store %arg3[%swap3A_61, %swap3A_62, %swap3A_63, %swap3A_64], %swap3A_67 {strides = array<i32>} : memref<1x3x2x128xf32, #tpu.memory_space<vmem>>, vector<1x1x2x128xf32>,
    return
  }
  func.func @transform_0(%arg0: i32) -> (i32, i32, i32, i32) {
    %c0_i32 = arith.constant 0 : i32
    %c0_i32_0 = arith.constant 0 : i32
    %c0_i32_1 = arith.constant 0 : i32
    %c0_i32_2 = arith.constant 0 : i32
    return %arg0, %c0_i32, %c0_i32_0, %c0_i32_1 : i32, i32, i32, i32
  }
  func.func @transform_1(%arg0: i32) -> (i32, i32, i32) {
    %c0_i32 = arith.constant 0 : i32
    %c0_i32_0 = arith.constant 0 : i32
    %c0_i32_1 = arith.constant 0 : i32
    return %arg0, %c0_i32, %c0_i32_0 : i32, i32, i32
  }
  func.func @transform_2(%arg0: i32) -> (i32, i32, i32, i32) {
    %c0_i32 = arith.constant 0 : i32
    %c0_i32_0 = arith.constant 0 : i32
    %c0_i32_1 = arith.constant 0 : i32
    %c0_i32_2 = arith.constant 0 : i32
    return %arg0, %c0_i32, %c0_i32_0, %c0_i32_1 : i32, i32, i32, i32
  }
}

module attributes {stable_mosaic.version = 14 : i64} {
  func.func @_dist_body(%arg0: i32, %arg1: i32, %arg2: i32, %arg3: memref<1x3x256xf32, #tpu.memory_space<vmem>>, %arg4: memref<1x3x1024xf32, #tpu.memory_space<vmem>>, %arg5: memref<1x256x1024xf32, #tpu.memory_space<vmem>>) attributes {dimension_semantics = [#tpu.dimension_semantics<arbitrary>, #tpu.dimension_semantics<arbitrary>, #tpu.dimension_semantics<arbitrary>], iteration_bounds = array<i64: 2, 1, 1>, scalar_prefetch = 0 : i64, scratch_operands = 0 : i64, tpu.core_type = #tpu.core_type<tc>, window_params = [{transform_indices = @transform_0, window_bounds = array<i64: 1, 3, 256>}, {transform_indices = @transform_1, window_bounds = array<i64: 1, 3, 1024>}, {transform_indices = @transform_2, window_bounds = array<i64: 1, 256, 1024>}]} {
    %get3A = arith.constant 0 : index
    %get3A_0 = arith.constant 0 : index
    %get3A_1 = arith.constant 0 : index
    %get3A_2 = vector.load %arg3[%get3A, %get3A_0, %get3A_1] : memref<1x3x256xf32, #tpu.memory_space<vmem>>, vector<1x3x256xf32>
    %get3A_3 = vector.shape_cast %get3A_2 : vector<1x3x256xf32> to vector<3x256xf32>
    %get3A_4 = arith.constant 0 : index
    %get3A_5 = arith.constant 0 : index
    %get3A_6 = arith.constant 0 : index
    %get3A_7 = vector.load %arg4[%get3A_4, %get3A_5, %get3A_6] : memref<1x3x1024xf32, #tpu.memory_space<vmem>>, vector<1x3x1024xf32>
    %get3A_8 = vector.shape_cast %get3A_7 : vector<1x3x1024xf32> to vector<3x1024xf32>
    %mul3A = arith.mulf %get3A_3, %get3A_3 : vector<3x256xf32>
    %reduce_sum3A = arith.constant dense<0.000000e+00> : vector<256xf32>
    %reduce_sum3A_9 = vector.multi_reduction <add>, %mul3A, %reduce_sum3A [0] : vector<3x256xf32> to vector<256xf32>
    %broadcast_in_dim3A = vector.shape_cast %reduce_sum3A_9 : vector<256xf32> to vector<1x256xf32>
    %mul3A_10 = arith.mulf %get3A_8, %get3A_8 : vector<3x1024xf32>
    %reduce_sum3A_11 = arith.constant dense<0.000000e+00> : vector<1024xf32>
    %reduce_sum3A_12 = vector.multi_reduction <add>, %mul3A_10, %reduce_sum3A_11 [0] : vector<3x1024xf32> to vector<1024xf32>
    %broadcast_in_dim3A_13 = vector.shape_cast %reduce_sum3A_12 : vector<1024xf32> to vector<1x1024xf32>
    %broadcast_in_dim3A_14 = arith.constant 1.000000e+00 : f32
    %broadcast_in_dim3A_15 = vector.broadcast %broadcast_in_dim3A_14 : f32 to vector<1x256xf32>
    %broadcast_in_dim3A_16 = arith.constant 1.000000e+00 : f32
    %broadcast_in_dim3A_17 = vector.broadcast %broadcast_in_dim3A_16 : f32 to vector<1x1024xf32>
    %concatenate3A = tpu.concatenate %get3A_3, %broadcast_in_dim3A, %broadcast_in_dim3A_15 in 0 : vector<3x256xf32>, vector<1x256xf32>, vector<1x256xf32> -> vector<5x256xf32>
    %mul3A_18 = arith.constant -2.000000e+00 : f32
    %mul3A_19 = vector.broadcast %mul3A_18 : f32 to vector<3x1024xf32>
    %mul3A_20 = arith.mulf %mul3A_19, %get3A_8 : vector<3x1024xf32>
    %concatenate3A_21 = tpu.concatenate %mul3A_20, %broadcast_in_dim3A_17, %broadcast_in_dim3A_13 in 0 : vector<3x1024xf32>, vector<1x1024xf32>, vector<1x1024xf32> -> vector<5x1024xf32>
    %dot_general3A = arith.constant dense<0.000000e+00> : vector<256x1024xf32>
    %dot_general3A_22 = tpu.matmul %concatenate3A, %concatenate3A_21, %dot_general3A {dimension_numbers = #tpu.dot_dimension_numbers<[0], [0], [1], [1], [0, 1, 1, 1], [], []>, transpose_lhs_hint = false} : vector<5x256xf32>, vector<5x1024xf32>, vector<256x1024xf32> -> vector<256x1024xf32>
    %swap3A = arith.constant 0 : index
    %swap3A_23 = arith.constant 0 : index
    %swap3A_24 = arith.constant 0 : index
    %swap3A_25 = vector.load %arg5[%swap3A, %swap3A_23, %swap3A_24] : memref<1x256x1024xf32, #tpu.memory_space<vmem>>, vector<1x256x1024xf32>
    %swap3A_26 = vector.shape_cast %swap3A_25 : vector<1x256x1024xf32> to vector<256x1024xf32>
    %swap3A_27 = vector.shape_cast %dot_general3A_22 : vector<256x1024xf32> to vector<1x256x1024xf32>
    tpu.vector_store %arg5[%swap3A, %swap3A_23, %swap3A_24], %swap3A_27 {strides = array<i32>} : memref<1x256x1024xf32, #tpu.memory_space<vmem>>, vector<1x256x1024xf32>,
    return
  }
  func.func @transform_0(%arg0: i32, %arg1: i32, %arg2: i32) -> (i32, i32, i32) {
    %c0_i32 = arith.constant 0 : i32
    %c0_i32_0 = arith.constant 0 : i32
    return %arg0, %c0_i32, %arg1 : i32, i32, i32
  }
  func.func @transform_1(%arg0: i32, %arg1: i32, %arg2: i32) -> (i32, i32, i32) {
    %c0_i32 = arith.constant 0 : i32
    %c0_i32_0 = arith.constant 0 : i32
    return %arg0, %c0_i32, %arg2 : i32, i32, i32
  }
  func.func @transform_2(%arg0: i32, %arg1: i32, %arg2: i32) -> (i32, i32, i32) {
    %c0_i32 = arith.constant 0 : i32
    return %arg0, %arg1, %arg2 : i32, i32, i32
  }
}

module attributes {stable_mosaic.version = 14 : i64} {
  func.func @_sa_tail_body(%arg0: i32, %arg1: i32, %arg2: memref<1x128x64x128xf32, #tpu.memory_space<vmem>>, %arg3: memref<1x3x128xf32, #tpu.memory_space<vmem>>, %arg4: memref<3x128xf32, #tpu.memory_space<vmem>>, %arg5: memref<128x64xf32, #tpu.memory_space<vmem>>, %arg6: memref<1x64xf32, #tpu.memory_space<vmem>>, %arg7: memref<64x128xf32, #tpu.memory_space<vmem>>, %arg8: memref<1x128xf32, #tpu.memory_space<vmem>>, %arg9: memref<1x128x128xf32, #tpu.memory_space<vmem>>) attributes {dimension_semantics = [#tpu.dimension_semantics<arbitrary>, #tpu.dimension_semantics<arbitrary>], iteration_bounds = array<i64: 2, 8>, scalar_prefetch = 0 : i64, scratch_operands = 0 : i64, tpu.core_type = #tpu.core_type<tc>, window_params = [{transform_indices = @transform_0, window_bounds = array<i64: 1, 128, 64, 128>}, {transform_indices = @transform_1, window_bounds = array<i64: 1, 3, 128>}, {pipeline_mode = #tpu.pipeline_mode<synchronous>, transform_indices = @transform_2, window_bounds = array<i64: 3, 128>}, {pipeline_mode = #tpu.pipeline_mode<synchronous>, transform_indices = @transform_3, window_bounds = array<i64: 128, 64>}, {pipeline_mode = #tpu.pipeline_mode<synchronous>, transform_indices = @transform_4, window_bounds = array<i64: 1, 64>}, {pipeline_mode = #tpu.pipeline_mode<synchronous>, transform_indices = @transform_5, window_bounds = array<i64: 64, 128>}, {pipeline_mode = #tpu.pipeline_mode<synchronous>, transform_indices = @transform_6, window_bounds = array<i64: 1, 128>}, {transform_indices = @transform_7, window_bounds = array<i64: 1, 128, 128>}]} {
    %get3A = arith.constant 0 : index
    %get3A_0 = arith.constant 0 : index
    %get3A_1 = arith.constant 0 : index
    %get3A_2 = vector.load %arg3[%get3A, %get3A_0, %get3A_1] : memref<1x3x128xf32, #tpu.memory_space<vmem>>, vector<1x3x128xf32>
    %get3A_3 = vector.shape_cast %get3A_2 : vector<1x3x128xf32> to vector<3x128xf32>
    %get3A_4 = arith.constant 0 : index
    %get3A_5 = arith.constant 0 : index
    %get3A_6 = vector.load %arg4[%get3A_4, %get3A_5] : memref<3x128xf32, #tpu.memory_space<vmem>>, vector<3x128xf32>
    %dot_general3A = arith.constant dense<0.000000e+00> : vector<128x128xf32>
    %dot_general3A_7 = tpu.matmul %get3A_3, %get3A_6, %dot_general3A {dimension_numbers = #tpu.dot_dimension_numbers<[0], [0], [1], [1], [0, 1, 1, 1], [], []>, transpose_lhs_hint = false} : vector<3x128xf32>, vector<3x128xf32>, vector<128x128xf32> -> vector<128x128xf32>
    %get3A_8 = arith.constant 0 : index
    %get3A_9 = arith.constant 0 : index
    %get3A_10 = arith.constant 0 : index
    %get3A_11 = arith.constant 0 : index
    %get3A_12 = vector.load %arg2[%get3A_8, %get3A_9, %get3A_10, %get3A_11] : memref<1x128x64x128xf32, #tpu.memory_space<vmem>>, vector<1x128x64x128xf32>
    %get3A_13 = vector.shape_cast %get3A_12 : vector<1x128x64x128xf32> to vector<128x64x128xf32>
    %broadcast_in_dim3A = vector.shape_cast %dot_general3A_7 : vector<128x128xf32> to vector<128x1x128xf32>
    %sub3A = vector.broadcast %broadcast_in_dim3A : vector<128x1x128xf32> to vector<128x64x128xf32>
    %sub3A_14 = arith.subf %get3A_13, %sub3A : vector<128x64x128xf32>
    %max3A = arith.constant 0.000000e+00 : f32
    %max3A_15 = vector.broadcast %max3A : f32 to vector<128x64x128xf32>
    %max3A_16 = arith.maximumf %sub3A_14, %max3A_15 : vector<128x64x128xf32>
    %reshape3A = vector.shape_cast %max3A_16 : vector<128x64x128xf32> to vector<8192x128xf32>
    %get3A_17 = arith.constant 0 : index
    %get3A_18 = arith.constant 0 : index
    %get3A_19 = vector.load %arg5[%get3A_17, %get3A_18] : memref<128x64xf32, #tpu.memory_space<vmem>>, vector<128x64xf32>
    %dot_general3A_20 = arith.constant dense<0.000000e+00> : vector<8192x64xf32>
    %dot_general3A_21 = tpu.matmul %reshape3A, %get3A_19, %dot_general3A_20 {dimension_numbers = #tpu.dot_dimension_numbers<[1], [0], [0], [1], [0, 0, 1, 1], [], []>, transpose_lhs_hint = false} : vector<8192x128xf32>, vector<128x64xf32>, vector<8192x64xf32> -> vector<8192x64xf32>
    %get3A_22 = arith.constant 0 : index
    %get3A_23 = arith.constant 0 : index
    %get3A_24 = vector.load %arg6[%get3A_22, %get3A_23] : memref<1x64xf32, #tpu.memory_space<vmem>>, vector<1x64xf32>
    %add3A = vector.broadcast %get3A_24 : vector<1x64xf32> to vector<8192x64xf32>
    %add3A_25 = arith.addf %dot_general3A_21, %add3A : vector<8192x64xf32>
    %max3A_26 = arith.constant 0.000000e+00 : f32
    %max3A_27 = vector.broadcast %max3A_26 : f32 to vector<8192x64xf32>
    %max3A_28 = arith.maximumf %add3A_25, %max3A_27 : vector<8192x64xf32>
    %get3A_29 = arith.constant 0 : index
    %get3A_30 = arith.constant 0 : index
    %get3A_31 = vector.load %arg7[%get3A_29, %get3A_30] : memref<64x128xf32, #tpu.memory_space<vmem>>, vector<64x128xf32>
    %dot_general3A_32 = arith.constant dense<0.000000e+00> : vector<8192x128xf32>
    %dot_general3A_33 = tpu.matmul %max3A_28, %get3A_31, %dot_general3A_32 {dimension_numbers = #tpu.dot_dimension_numbers<[1], [0], [0], [1], [0, 0, 1, 1], [], []>, transpose_lhs_hint = false} : vector<8192x64xf32>, vector<64x128xf32>, vector<8192x128xf32> -> vector<8192x128xf32>
    %get3A_34 = arith.constant 0 : index
    %get3A_35 = arith.constant 0 : index
    %get3A_36 = vector.load %arg8[%get3A_34, %get3A_35] : memref<1x128xf32, #tpu.memory_space<vmem>>, vector<1x128xf32>
    %add3A_37 = vector.broadcast %get3A_36 : vector<1x128xf32> to vector<8192x128xf32>
    %add3A_38 = arith.addf %dot_general3A_33, %add3A_37 : vector<8192x128xf32>
    %max3A_39 = arith.constant 0.000000e+00 : f32
    %max3A_40 = vector.broadcast %max3A_39 : f32 to vector<8192x128xf32>
    %max3A_41 = arith.maximumf %add3A_38, %max3A_40 : vector<8192x128xf32>
    %reshape3A_42 = vector.shape_cast %max3A_41 : vector<8192x128xf32> to vector<128x64x128xf32>
    %reduce_max3A = arith.constant dense<0xFF800000> : vector<128x128xf32>
    %reduce_max3A_43 = vector.multi_reduction <maximumf>, %reshape3A_42, %reduce_max3A [1] : vector<128x64x128xf32> to vector<128x128xf32>
    %swap3A = arith.constant 0 : index
    %swap3A_44 = arith.constant 0 : index
    %swap3A_45 = arith.constant 0 : index
    %swap3A_46 = vector.load %arg9[%swap3A, %swap3A_44, %swap3A_45] : memref<1x128x128xf32, #tpu.memory_space<vmem>>, vector<1x128x128xf32>
    %swap3A_47 = vector.shape_cast %swap3A_46 : vector<1x128x128xf32> to vector<128x128xf32>
    %swap3A_48 = vector.shape_cast %reduce_max3A_43 : vector<128x128xf32> to vector<1x128x128xf32>
    tpu.vector_store %arg9[%swap3A, %swap3A_44, %swap3A_45], %swap3A_48 {strides = array<i32>} : memref<1x128x128xf32, #tpu.memory_space<vmem>>, vector<1x128x128xf32>,
    return
  }
  func.func @transform_0(%arg0: i32, %arg1: i32) -> (i32, i32, i32, i32) {
    %c0_i32 = arith.constant 0 : i32
    %c0_i32_0 = arith.constant 0 : i32
    %c0_i32_1 = arith.constant 0 : i32
    return %arg0, %arg1, %c0_i32, %c0_i32_0 : i32, i32, i32, i32
  }
  func.func @transform_1(%arg0: i32, %arg1: i32) -> (i32, i32, i32) {
    %c0_i32 = arith.constant 0 : i32
    %c0_i32_0 = arith.constant 0 : i32
    return %arg0, %c0_i32, %arg1 : i32, i32, i32
  }
  func.func @transform_2(%arg0: i32, %arg1: i32) -> (i32, i32) {
    %c0_i32 = arith.constant 0 : i32
    %c0_i32_0 = arith.constant 0 : i32
    %c0_i32_1 = arith.constant 0 : i32
    return %c0_i32, %c0_i32_0 : i32, i32
  }
  func.func @transform_3(%arg0: i32, %arg1: i32) -> (i32, i32) {
    %c0_i32 = arith.constant 0 : i32
    %c0_i32_0 = arith.constant 0 : i32
    %c0_i32_1 = arith.constant 0 : i32
    return %c0_i32, %c0_i32_0 : i32, i32
  }
  func.func @transform_4(%arg0: i32, %arg1: i32) -> (i32, i32) {
    %c0_i32 = arith.constant 0 : i32
    %c0_i32_0 = arith.constant 0 : i32
    %c0_i32_1 = arith.constant 0 : i32
    return %c0_i32, %c0_i32_0 : i32, i32
  }
  func.func @transform_5(%arg0: i32, %arg1: i32) -> (i32, i32) {
    %c0_i32 = arith.constant 0 : i32
    %c0_i32_0 = arith.constant 0 : i32
    %c0_i32_1 = arith.constant 0 : i32
    return %c0_i32, %c0_i32_0 : i32, i32
  }
  func.func @transform_6(%arg0: i32, %arg1: i32) -> (i32, i32) {
    %c0_i32 = arith.constant 0 : i32
    %c0_i32_0 = arith.constant 0 : i32
    %c0_i32_1 = arith.constant 0 : i32
    return %c0_i32, %c0_i32_0 : i32, i32
  }
  func.func @transform_7(%arg0: i32, %arg1: i32) -> (i32, i32, i32) {
    %c0_i32 = arith.constant 0 : i32
    %c0_i32_0 = arith.constant 0 : i32
    return %arg0, %arg1, %c0_i32 : i32, i32, i32
  }
}

module attributes {stable_mosaic.version = 14 : i64} {
  func.func @_proj2_body(%arg0: i32, %arg1: memref<1x3x1024xf32, #tpu.memory_space<vmem>>, %arg2: memref<1x1024x128xf32, #tpu.memory_space<vmem>>, %arg3: memref<3x128xf32, #tpu.memory_space<vmem>>, %arg4: memref<128x128xf32, #tpu.memory_space<vmem>>, %arg5: memref<1x128xf32, #tpu.memory_space<vmem>>, %arg6: memref<1x1024x128xf32, #tpu.memory_space<vmem>>) attributes {dimension_semantics = [#tpu.dimension_semantics<arbitrary>], iteration_bounds = array<i64: 2>, scalar_prefetch = 0 : i64, scratch_operands = 0 : i64, tpu.core_type = #tpu.core_type<tc>, window_params = [{transform_indices = @transform_0, window_bounds = array<i64: 1, 3, 1024>}, {transform_indices = @transform_1, window_bounds = array<i64: 1, 1024, 128>}, {pipeline_mode = #tpu.pipeline_mode<synchronous>, transform_indices = @transform_2, window_bounds = array<i64: 3, 128>}, {pipeline_mode = #tpu.pipeline_mode<synchronous>, transform_indices = @transform_3, window_bounds = array<i64: 128, 128>}, {pipeline_mode = #tpu.pipeline_mode<synchronous>, transform_indices = @transform_4, window_bounds = array<i64: 1, 128>}, {transform_indices = @transform_5, window_bounds = array<i64: 1, 1024, 128>}]} {
    %get3A = arith.constant 0 : index
    %get3A_0 = arith.constant 0 : index
    %get3A_1 = arith.constant 0 : index
    %get3A_2 = vector.load %arg1[%get3A, %get3A_0, %get3A_1] : memref<1x3x1024xf32, #tpu.memory_space<vmem>>, vector<1x3x1024xf32>
    %get3A_3 = vector.shape_cast %get3A_2 : vector<1x3x1024xf32> to vector<3x1024xf32>
    %get3A_4 = arith.constant 0 : index
    %get3A_5 = arith.constant 0 : index
    %get3A_6 = vector.load %arg3[%get3A_4, %get3A_5] : memref<3x128xf32, #tpu.memory_space<vmem>>, vector<3x128xf32>
    %dot_general3A = arith.constant dense<0.000000e+00> : vector<1024x128xf32>
    %dot_general3A_7 = tpu.matmul %get3A_3, %get3A_6, %dot_general3A {dimension_numbers = #tpu.dot_dimension_numbers<[0], [0], [1], [1], [0, 1, 1, 1], [], []>, transpose_lhs_hint = false} : vector<3x1024xf32>, vector<3x128xf32>, vector<1024x128xf32> -> vector<1024x128xf32>
    %get3A_8 = arith.constant 0 : index
    %get3A_9 = arith.constant 0 : index
    %get3A_10 = arith.constant 0 : index
    %get3A_11 = vector.load %arg2[%get3A_8, %get3A_9, %get3A_10] : memref<1x1024x128xf32, #tpu.memory_space<vmem>>, vector<1x1024x128xf32>
    %get3A_12 = vector.shape_cast %get3A_11 : vector<1x1024x128xf32> to vector<1024x128xf32>
    %get3A_13 = arith.constant 0 : index
    %get3A_14 = arith.constant 0 : index
    %get3A_15 = vector.load %arg4[%get3A_13, %get3A_14] : memref<128x128xf32, #tpu.memory_space<vmem>>, vector<128x128xf32>
    %dot_general3A_16 = arith.constant dense<0.000000e+00> : vector<1024x128xf32>
    %dot_general3A_17 = tpu.matmul %get3A_12, %get3A_15, %dot_general3A_16 {dimension_numbers = #tpu.dot_dimension_numbers<[1], [0], [0], [1], [0, 0, 1, 1], [], []>, transpose_lhs_hint = false} : vector<1024x128xf32>, vector<128x128xf32>, vector<1024x128xf32> -> vector<1024x128xf32>
    %add3A = arith.addf %dot_general3A_7, %dot_general3A_17 : vector<1024x128xf32>
    %get3A_18 = arith.constant 0 : index
    %get3A_19 = arith.constant 0 : index
    %get3A_20 = vector.load %arg5[%get3A_18, %get3A_19] : memref<1x128xf32, #tpu.memory_space<vmem>>, vector<1x128xf32>
    %add3A_21 = vector.broadcast %get3A_20 : vector<1x128xf32> to vector<1024x128xf32>
    %add3A_22 = arith.addf %add3A, %add3A_21 : vector<1024x128xf32>
    %swap3A = arith.constant 0 : index
    %swap3A_23 = arith.constant 0 : index
    %swap3A_24 = arith.constant 0 : index
    %swap3A_25 = vector.load %arg6[%swap3A, %swap3A_23, %swap3A_24] : memref<1x1024x128xf32, #tpu.memory_space<vmem>>, vector<1x1024x128xf32>
    %swap3A_26 = vector.shape_cast %swap3A_25 : vector<1x1024x128xf32> to vector<1024x128xf32>
    %swap3A_27 = vector.shape_cast %add3A_22 : vector<1024x128xf32> to vector<1x1024x128xf32>
    tpu.vector_store %arg6[%swap3A, %swap3A_23, %swap3A_24], %swap3A_27 {strides = array<i32>} : memref<1x1024x128xf32, #tpu.memory_space<vmem>>, vector<1x1024x128xf32>,
    return
  }
  func.func @transform_0(%arg0: i32) -> (i32, i32, i32) {
    %c0_i32 = arith.constant 0 : i32
    %c0_i32_0 = arith.constant 0 : i32
    %c0_i32_1 = arith.constant 0 : i32
    return %arg0, %c0_i32, %c0_i32_0 : i32, i32, i32
  }
  func.func @transform_1(%arg0: i32) -> (i32, i32, i32) {
    %c0_i32 = arith.constant 0 : i32
    %c0_i32_0 = arith.constant 0 : i32
    %c0_i32_1 = arith.constant 0 : i32
    return %arg0, %c0_i32, %c0_i32_0 : i32, i32, i32
  }
  func.func @transform_2(%arg0: i32) -> (i32, i32) {
    %c0_i32 = arith.constant 0 : i32
    %c0_i32_0 = arith.constant 0 : i32
    %c0_i32_1 = arith.constant 0 : i32
    return %c0_i32, %c0_i32_0 : i32, i32
  }
  func.func @transform_3(%arg0: i32) -> (i32, i32) {
    %c0_i32 = arith.constant 0 : i32
    %c0_i32_0 = arith.constant 0 : i32
    %c0_i32_1 = arith.constant 0 : i32
    return %c0_i32, %c0_i32_0 : i32, i32
  }
  func.func @transform_4(%arg0: i32) -> (i32, i32) {
    %c0_i32 = arith.constant 0 : i32
    %c0_i32_0 = arith.constant 0 : i32
    %c0_i32_1 = arith.constant 0 : i32
    return %c0_i32, %c0_i32_0 : i32, i32
  }
  func.func @transform_5(%arg0: i32) -> (i32, i32, i32) {
    %c0_i32 = arith.constant 0 : i32
    %c0_i32_0 = arith.constant 0 : i32
    %c0_i32_1 = arith.constant 0 : i32
    return %arg0, %c0_i32, %c0_i32_0 : i32, i32, i32
  }
}

module attributes {stable_mosaic.version = 14 : i64} {
  func.func @_sa_tail_body(%arg0: i32, %arg1: i32, %arg2: memref<1x256x32x128xf32, #tpu.memory_space<vmem>>, %arg3: memref<1x3x256xf32, #tpu.memory_space<vmem>>, %arg4: memref<3x128xf32, #tpu.memory_space<vmem>>, %arg5: memref<128x128xf32, #tpu.memory_space<vmem>>, %arg6: memref<1x128xf32, #tpu.memory_space<vmem>>, %arg7: memref<128x256xf32, #tpu.memory_space<vmem>>, %arg8: memref<1x256xf32, #tpu.memory_space<vmem>>, %arg9: memref<1x256x256xf32, #tpu.memory_space<vmem>>) attributes {dimension_semantics = [#tpu.dimension_semantics<arbitrary>, #tpu.dimension_semantics<arbitrary>], iteration_bounds = array<i64: 2, 1>, scalar_prefetch = 0 : i64, scratch_operands = 0 : i64, tpu.core_type = #tpu.core_type<tc>, window_params = [{transform_indices = @transform_0, window_bounds = array<i64: 1, 256, 32, 128>}, {transform_indices = @transform_1, window_bounds = array<i64: 1, 3, 256>}, {pipeline_mode = #tpu.pipeline_mode<synchronous>, transform_indices = @transform_2, window_bounds = array<i64: 3, 128>}, {pipeline_mode = #tpu.pipeline_mode<synchronous>, transform_indices = @transform_3, window_bounds = array<i64: 128, 128>}, {pipeline_mode = #tpu.pipeline_mode<synchronous>, transform_indices = @transform_4, window_bounds = array<i64: 1, 128>}, {pipeline_mode = #tpu.pipeline_mode<synchronous>, transform_indices = @transform_5, window_bounds = array<i64: 128, 256>}, {pipeline_mode = #tpu.pipeline_mode<synchronous>, transform_indices = @transform_6, window_bounds = array<i64: 1, 256>}, {transform_indices = @transform_7, window_bounds = array<i64: 1, 256, 256>}]} {
    %get3A = arith.constant 0 : index
    %get3A_0 = arith.constant 0 : index
    %get3A_1 = arith.constant 0 : index
    %get3A_2 = vector.load %arg3[%get3A, %get3A_0, %get3A_1] : memref<1x3x256xf32, #tpu.memory_space<vmem>>, vector<1x3x256xf32>
    %get3A_3 = vector.shape_cast %get3A_2 : vector<1x3x256xf32> to vector<3x256xf32>
    %get3A_4 = arith.constant 0 : index
    %get3A_5 = arith.constant 0 : index
    %get3A_6 = vector.load %arg4[%get3A_4, %get3A_5] : memref<3x128xf32, #tpu.memory_space<vmem>>, vector<3x128xf32>
    %dot_general3A = arith.constant dense<0.000000e+00> : vector<256x128xf32>
    %dot_general3A_7 = tpu.matmul %get3A_3, %get3A_6, %dot_general3A {dimension_numbers = #tpu.dot_dimension_numbers<[0], [0], [1], [1], [0, 1, 1, 1], [], []>, transpose_lhs_hint = false} : vector<3x256xf32>, vector<3x128xf32>, vector<256x128xf32> -> vector<256x128xf32>
    %get3A_8 = arith.constant 0 : index
    %get3A_9 = arith.constant 0 : index
    %get3A_10 = arith.constant 0 : index
    %get3A_11 = arith.constant 0 : index
    %get3A_12 = vector.load %arg2[%get3A_8, %get3A_9, %get3A_10, %get3A_11] : memref<1x256x32x128xf32, #tpu.memory_space<vmem>>, vector<1x256x32x128xf32>
    %get3A_13 = vector.shape_cast %get3A_12 : vector<1x256x32x128xf32> to vector<256x32x128xf32>
    %broadcast_in_dim3A = vector.shape_cast %dot_general3A_7 : vector<256x128xf32> to vector<256x1x128xf32>
    %sub3A = vector.broadcast %broadcast_in_dim3A : vector<256x1x128xf32> to vector<256x32x128xf32>
    %sub3A_14 = arith.subf %get3A_13, %sub3A : vector<256x32x128xf32>
    %max3A = arith.constant 0.000000e+00 : f32
    %max3A_15 = vector.broadcast %max3A : f32 to vector<256x32x128xf32>
    %max3A_16 = arith.maximumf %sub3A_14, %max3A_15 : vector<256x32x128xf32>
    %reshape3A = vector.shape_cast %max3A_16 : vector<256x32x128xf32> to vector<8192x128xf32>
    %get3A_17 = arith.constant 0 : index
    %get3A_18 = arith.constant 0 : index
    %get3A_19 = vector.load %arg5[%get3A_17, %get3A_18] : memref<128x128xf32, #tpu.memory_space<vmem>>, vector<128x128xf32>
    %dot_general3A_20 = arith.constant dense<0.000000e+00> : vector<8192x128xf32>
    %dot_general3A_21 = tpu.matmul %reshape3A, %get3A_19, %dot_general3A_20 {dimension_numbers = #tpu.dot_dimension_numbers<[1], [0], [0], [1], [0, 0, 1, 1], [], []>, transpose_lhs_hint = false} : vector<8192x128xf32>, vector<128x128xf32>, vector<8192x128xf32> -> vector<8192x128xf32>
    %get3A_22 = arith.constant 0 : index
    %get3A_23 = arith.constant 0 : index
    %get3A_24 = vector.load %arg6[%get3A_22, %get3A_23] : memref<1x128xf32, #tpu.memory_space<vmem>>, vector<1x128xf32>
    %add3A = vector.broadcast %get3A_24 : vector<1x128xf32> to vector<8192x128xf32>
    %add3A_25 = arith.addf %dot_general3A_21, %add3A : vector<8192x128xf32>
    %max3A_26 = arith.constant 0.000000e+00 : f32
    %max3A_27 = vector.broadcast %max3A_26 : f32 to vector<8192x128xf32>
    %max3A_28 = arith.maximumf %add3A_25, %max3A_27 : vector<8192x128xf32>
    %get3A_29 = arith.constant 0 : index
    %get3A_30 = arith.constant 0 : index
    %get3A_31 = vector.load %arg7[%get3A_29, %get3A_30] : memref<128x256xf32, #tpu.memory_space<vmem>>, vector<128x256xf32>
    %dot_general3A_32 = arith.constant dense<0.000000e+00> : vector<8192x256xf32>
    %dot_general3A_33 = tpu.matmul %max3A_28, %get3A_31, %dot_general3A_32 {dimension_numbers = #tpu.dot_dimension_numbers<[1], [0], [0], [1], [0, 0, 1, 1], [], []>, transpose_lhs_hint = false} : vector<8192x128xf32>, vector<128x256xf32>, vector<8192x256xf32> -> vector<8192x256xf32>
    %get3A_34 = arith.constant 0 : index
    %get3A_35 = arith.constant 0 : index
    %get3A_36 = vector.load %arg8[%get3A_34, %get3A_35] : memref<1x256xf32, #tpu.memory_space<vmem>>, vector<1x256xf32>
    %add3A_37 = vector.broadcast %get3A_36 : vector<1x256xf32> to vector<8192x256xf32>
    %add3A_38 = arith.addf %dot_general3A_33, %add3A_37 : vector<8192x256xf32>
    %max3A_39 = arith.constant 0.000000e+00 : f32
    %max3A_40 = vector.broadcast %max3A_39 : f32 to vector<8192x256xf32>
    %max3A_41 = arith.maximumf %add3A_38, %max3A_40 : vector<8192x256xf32>
    %reshape3A_42 = vector.shape_cast %max3A_41 : vector<8192x256xf32> to vector<256x32x256xf32>
    %reduce_max3A = arith.constant dense<0xFF800000> : vector<256x256xf32>
    %reduce_max3A_43 = vector.multi_reduction <maximumf>, %reshape3A_42, %reduce_max3A [1] : vector<256x32x256xf32> to vector<256x256xf32>
    %swap3A = arith.constant 0 : index
    %swap3A_44 = arith.constant 0 : index
    %swap3A_45 = arith.constant 0 : index
    %swap3A_46 = vector.load %arg9[%swap3A, %swap3A_44, %swap3A_45] : memref<1x256x256xf32, #tpu.memory_space<vmem>>, vector<1x256x256xf32>
    %swap3A_47 = vector.shape_cast %swap3A_46 : vector<1x256x256xf32> to vector<256x256xf32>
    %swap3A_48 = vector.shape_cast %reduce_max3A_43 : vector<256x256xf32> to vector<1x256x256xf32>
    tpu.vector_store %arg9[%swap3A, %swap3A_44, %swap3A_45], %swap3A_48 {strides = array<i32>} : memref<1x256x256xf32, #tpu.memory_space<vmem>>, vector<1x256x256xf32>,
    return
  }
  func.func @transform_0(%arg0: i32, %arg1: i32) -> (i32, i32, i32, i32) {
    %c0_i32 = arith.constant 0 : i32
    %c0_i32_0 = arith.constant 0 : i32
    %c0_i32_1 = arith.constant 0 : i32
    return %arg0, %arg1, %c0_i32, %c0_i32_0 : i32, i32, i32, i32
  }
  func.func @transform_1(%arg0: i32, %arg1: i32) -> (i32, i32, i32) {
    %c0_i32 = arith.constant 0 : i32
    %c0_i32_0 = arith.constant 0 : i32
    return %arg0, %c0_i32, %arg1 : i32, i32, i32
  }
  func.func @transform_2(%arg0: i32, %arg1: i32) -> (i32, i32) {
    %c0_i32 = arith.constant 0 : i32
    %c0_i32_0 = arith.constant 0 : i32
    %c0_i32_1 = arith.constant 0 : i32
    return %c0_i32, %c0_i32_0 : i32, i32
  }
  func.func @transform_3(%arg0: i32, %arg1: i32) -> (i32, i32) {
    %c0_i32 = arith.constant 0 : i32
    %c0_i32_0 = arith.constant 0 : i32
    %c0_i32_1 = arith.constant 0 : i32
    return %c0_i32, %c0_i32_0 : i32, i32
  }
  func.func @transform_4(%arg0: i32, %arg1: i32) -> (i32, i32) {
    %c0_i32 = arith.constant 0 : i32
    %c0_i32_0 = arith.constant 0 : i32
    %c0_i32_1 = arith.constant 0 : i32
    return %c0_i32, %c0_i32_0 : i32, i32
  }
  func.func @transform_5(%arg0: i32, %arg1: i32) -> (i32, i32) {
    %c0_i32 = arith.constant 0 : i32
    %c0_i32_0 = arith.constant 0 : i32
    %c0_i32_1 = arith.constant 0 : i32
    return %c0_i32, %c0_i32_0 : i32, i32
  }
  func.func @transform_6(%arg0: i32, %arg1: i32) -> (i32, i32) {
    %c0_i32 = arith.constant 0 : i32
    %c0_i32_0 = arith.constant 0 : i32
    %c0_i32_1 = arith.constant 0 : i32
    return %c0_i32, %c0_i32_0 : i32, i32
  }
  func.func @transform_7(%arg0: i32, %arg1: i32) -> (i32, i32, i32) {
    %c0_i32 = arith.constant 0 : i32
    %c0_i32_0 = arith.constant 0 : i32
    return %arg0, %arg1, %c0_i32 : i32, i32, i32
  }
}

module attributes {stable_mosaic.version = 14 : i64} {
  func.func @_fp_body(%arg0: i32, %arg1: memref<1x3x1024xf32, #tpu.memory_space<vmem>>, %arg2: memref<1x3x256xf32, #tpu.memory_space<vmem>>, %arg3: memref<1x1024x128xf32, #tpu.memory_space<vmem>>, %arg4: memref<1x256x256xf32, #tpu.memory_space<vmem>>, %arg5: memref<128x256xf32, #tpu.memory_space<vmem>>, %arg6: memref<256x256xf32, #tpu.memory_space<vmem>>, %arg7: memref<1x256xf32, #tpu.memory_space<vmem>>, %arg8: memref<256x256xf32, #tpu.memory_space<vmem>>, %arg9: memref<1x256xf32, #tpu.memory_space<vmem>>, %arg10: memref<1x1024x256xf32, #tpu.memory_space<vmem>>) attributes {dimension_semantics = [#tpu.dimension_semantics<arbitrary>], iteration_bounds = array<i64: 2>, scalar_prefetch = 0 : i64, scratch_operands = 0 : i64, tpu.core_type = #tpu.core_type<tc>, window_params = [{transform_indices = @transform_0, window_bounds = array<i64: 1, 3, 1024>}, {transform_indices = @transform_1, window_bounds = array<i64: 1, 3, 256>}, {transform_indices = @transform_2, window_bounds = array<i64: 1, 1024, 128>}, {transform_indices = @transform_3, window_bounds = array<i64: 1, 256, 256>}, {pipeline_mode = #tpu.pipeline_mode<synchronous>, transform_indices = @transform_4, window_bounds = array<i64: 128, 256>}, {pipeline_mode = #tpu.pipeline_mode<synchronous>, transform_indices = @transform_5, window_bounds = array<i64: 256, 256>}, {pipeline_mode = #tpu.pipeline_mode<synchronous>, transform_indices = @transform_6, window_bounds = array<i64: 1, 256>}, {pipeline_mode = #tpu.pipeline_mode<synchronous>, transform_indices = @transform_7, window_bounds = array<i64: 256, 256>}, {pipeline_mode = #tpu.pipeline_mode<synchronous>, transform_indices = @transform_8, window_bounds = array<i64: 1, 256>}, {transform_indices = @transform_9, window_bounds = array<i64: 1, 1024, 256>}]} {
    %get3A = arith.constant 0 : index
    %get3A_0 = arith.constant 0 : index
    %get3A_1 = arith.constant 0 : index
    %get3A_2 = vector.load %arg1[%get3A, %get3A_0, %get3A_1] : memref<1x3x1024xf32, #tpu.memory_space<vmem>>, vector<1x3x1024xf32>
    %get3A_3 = vector.shape_cast %get3A_2 : vector<1x3x1024xf32> to vector<3x1024xf32>
    %get3A_4 = arith.constant 0 : index
    %get3A_5 = arith.constant 0 : index
    %get3A_6 = arith.constant 0 : index
    %get3A_7 = vector.load %arg2[%get3A_4, %get3A_5, %get3A_6] : memref<1x3x256xf32, #tpu.memory_space<vmem>>, vector<1x3x256xf32>
    %get3A_8 = vector.shape_cast %get3A_7 : vector<1x3x256xf32> to vector<3x256xf32>
    %mul3A = arith.mulf %get3A_3, %get3A_3 : vector<3x1024xf32>
    %reduce_sum3A = arith.constant dense<0.000000e+00> : vector<1024xf32>
    %reduce_sum3A_9 = vector.multi_reduction <add>, %mul3A, %reduce_sum3A [0] : vector<3x1024xf32> to vector<1024xf32>
    %broadcast_in_dim3A = vector.shape_cast %reduce_sum3A_9 : vector<1024xf32> to vector<1x1024xf32>
    %mul3A_10 = arith.mulf %get3A_8, %get3A_8 : vector<3x256xf32>
    %reduce_sum3A_11 = arith.constant dense<0.000000e+00> : vector<256xf32>
    %reduce_sum3A_12 = vector.multi_reduction <add>, %mul3A_10, %reduce_sum3A_11 [0] : vector<3x256xf32> to vector<256xf32>
    %broadcast_in_dim3A_13 = vector.shape_cast %reduce_sum3A_12 : vector<256xf32> to vector<1x256xf32>
    %broadcast_in_dim3A_14 = arith.constant 1.000000e+00 : f32
    %broadcast_in_dim3A_15 = vector.broadcast %broadcast_in_dim3A_14 : f32 to vector<1x1024xf32>
    %concatenate3A = tpu.concatenate %get3A_3, %broadcast_in_dim3A, %broadcast_in_dim3A_15 in 0 : vector<3x1024xf32>, vector<1x1024xf32>, vector<1x1024xf32> -> vector<5x1024xf32>
    %mul3A_16 = arith.constant -2.000000e+00 : f32
    %mul3A_17 = vector.broadcast %mul3A_16 : f32 to vector<3x256xf32>
    %mul3A_18 = arith.mulf %mul3A_17, %get3A_8 : vector<3x256xf32>
    %broadcast_in_dim3A_19 = arith.constant 1.000000e+00 : f32
    %broadcast_in_dim3A_20 = vector.broadcast %broadcast_in_dim3A_19 : f32 to vector<1x256xf32>
    %concatenate3A_21 = tpu.concatenate %mul3A_18, %broadcast_in_dim3A_20, %broadcast_in_dim3A_13 in 0 : vector<3x256xf32>, vector<1x256xf32>, vector<1x256xf32> -> vector<5x256xf32>
    %dot_general3A = arith.constant dense<0.000000e+00> : vector<1024x256xf32>
    %dot_general3A_22 = tpu.matmul %concatenate3A, %concatenate3A_21, %dot_general3A {dimension_numbers = #tpu.dot_dimension_numbers<[0], [0], [1], [1], [0, 1, 1, 1], [], []>, transpose_lhs_hint = false} : vector<5x1024xf32>, vector<5x256xf32>, vector<1024x256xf32> -> vector<1024x256xf32>
    %iota3A = tpu.iota {dimensions = array<i32: 1>} : vector<1024x256xi32>
    %broadcast_in_dim3A_23 = arith.constant 0.000000e+00 : f32
    %broadcast_in_dim3A_24 = vector.broadcast %broadcast_in_dim3A_23 : f32 to vector<1024x1xf32>
    %reduce_min3A = arith.constant dense<0x7F800000> : vector<1024xf32>
    %reduce_min3A_25 = vector.multi_reduction <minimumf>, %dot_general3A_22, %reduce_min3A [1] : vector<1024x256xf32> to vector<1024xf32>
    %broadcast_in_dim3A_26 = vector.shape_cast %reduce_min3A_25 : vector<1024xf32> to vector<1024x1xf32>
    %eq3A = vector.broadcast %broadcast_in_dim3A_26 : vector<1024x1xf32> to vector<1024x256xf32>
    %eq3A_27 = arith.cmpf oeq, %dot_general3A_22, %eq3A : vector<1024x256xf32>
    %jit3A = arith.constant 257 : i32
    %broadcast_in_dim3A_28 = vector.broadcast %jit3A : i32 to vector<1024x256xi32>
    %select_n3A = arith.select %eq3A_27, %iota3A, %broadcast_in_dim3A_28 : vector<1024x256xi1>, vector<1024x256xi32>
    %reduce_min3A_29 = arith.constant dense<2147483647> : vector<1024xi32>
    %reduce_min3A_30 = vector.multi_reduction <minsi>, %select_n3A, %reduce_min3A_29 [1] : vector<1024x256xi32> to vector<1024xi32>
    %broadcast_in_dim3A_31 = vector.shape_cast %reduce_min3A_30 : vector<1024xi32> to vector<1024x1xi32>
    %eq3A_32 = vector.broadcast %broadcast_in_dim3A_31 : vector<1024x1xi32> to vector<1024x256xi32>
    %eq3A_33 = arith.cmpi eq, %iota3A, %eq3A_32 : vector<1024x256xi32>
    %max3A = arith.constant 0.000000e+00 : f32
    %max3A_34 = vector.broadcast %max3A : f32 to vector<1024x1xf32>
    %max3A_35 = arith.maximumf %broadcast_in_dim3A_26, %max3A_34 : vector<1024x1xf32>
    %add3A = arith.constant 9.99999993E-9 : f32
    %add3A_36 = vector.broadcast %add3A : f32 to vector<1024x1xf32>
    %add3A_37 = arith.addf %max3A_35, %add3A_36 : vector<1024x1xf32>
    %div3A = arith.constant 1.000000e+00 : f32
    %div3A_38 = vector.broadcast %div3A : f32 to vector<1024x1xf32>
    %div3A_39 = arith.divf %div3A_38, %add3A_37 : vector<1024x1xf32>
    %add3A_40 = arith.addf %broadcast_in_dim3A_24, %div3A_39 : vector<1024x1xf32>
    %jit3A_41 = arith.constant 3.000000e+38 : f32
    %broadcast_in_dim3A_42 = vector.broadcast %jit3A_41 : f32 to vector<1024x256xf32>
    %select_n3A_43 = arith.select %eq3A_33, %broadcast_in_dim3A_42, %dot_general3A_22 : vector<1024x256xi1>, vector<1024x256xf32>
    %reduce_min3A_44 = arith.constant dense<0x7F800000> : vector<1024xf32>
    %reduce_min3A_45 = vector.multi_reduction <minimumf>, %select_n3A_43, %reduce_min3A_44 [1] : vector<1024x256xf32> to vector<1024xf32>
    %broadcast_in_dim3A_46 = vector.shape_cast %reduce_min3A_45 : vector<1024xf32> to vector<1024x1xf32>
    %eq3A_47 = vector.broadcast %broadcast_in_dim3A_46 : vector<1024x1xf32> to vector<1024x256xf32>
    %eq3A_48 = arith.cmpf oeq, %select_n3A_43, %eq3A_47 : vector<1024x256xf32>
    %jit3A_49 = arith.constant 257 : i32
    %broadcast_in_dim3A_50 = vector.broadcast %jit3A_49 : i32 to vector<1024x256xi32>
    %select_n3A_51 = arith.select %eq3A_48, %iota3A, %broadcast_in_dim3A_50 : vector<1024x256xi1>, vector<1024x256xi32>
    %reduce_min3A_52 = arith.constant dense<2147483647> : vector<1024xi32>
    %reduce_min3A_53 = vector.multi_reduction <minsi>, %select_n3A_51, %reduce_min3A_52 [1] : vector<1024x256xi32> to vector<1024xi32>
    %broadcast_in_dim3A_54 = vector.shape_cast %reduce_min3A_53 : vector<1024xi32> to vector<1024x1xi32>
    %eq3A_55 = vector.broadcast %broadcast_in_dim3A_54 : vector<1024x1xi32> to vector<1024x256xi32>
    %eq3A_56 = arith.cmpi eq, %iota3A, %eq3A_55 : vector<1024x256xi32>
    %max3A_57 = arith.constant 0.000000e+00 : f32
    %max3A_58 = vector.broadcast %max3A_57 : f32 to vector<1024x1xf32>
    %max3A_59 = arith.maximumf %broadcast_in_dim3A_46, %max3A_58 : vector<1024x1xf32>
    %add3A_60 = arith.constant 9.99999993E-9 : f32
    %add3A_61 = vector.broadcast %add3A_60 : f32 to vector<1024x1xf32>
    %add3A_62 = arith.addf %max3A_59, %add3A_61 : vector<1024x1xf32>
    %div3A_63 = arith.constant 1.000000e+00 : f32
    %div3A_64 = vector.broadcast %div3A_63 : f32 to vector<1024x1xf32>
    %div3A_65 = arith.divf %div3A_64, %add3A_62 : vector<1024x1xf32>
    %add3A_66 = arith.addf %add3A_40, %div3A_65 : vector<1024x1xf32>
    %jit3A_67 = arith.constant 3.000000e+38 : f32
    %broadcast_in_dim3A_68 = vector.broadcast %jit3A_67 : f32 to vector<1024x256xf32>
    %select_n3A_69 = arith.select %eq3A_56, %broadcast_in_dim3A_68, %select_n3A_43 : vector<1024x256xi1>, vector<1024x256xf32>
    %reduce_min3A_70 = arith.constant dense<0x7F800000> : vector<1024xf32>
    %reduce_min3A_71 = vector.multi_reduction <minimumf>, %select_n3A_69, %reduce_min3A_70 [1] : vector<1024x256xf32> to vector<1024xf32>
    %broadcast_in_dim3A_72 = vector.shape_cast %reduce_min3A_71 : vector<1024xf32> to vector<1024x1xf32>
    %eq3A_73 = vector.broadcast %broadcast_in_dim3A_72 : vector<1024x1xf32> to vector<1024x256xf32>
    %eq3A_74 = arith.cmpf oeq, %select_n3A_69, %eq3A_73 : vector<1024x256xf32>
    %jit3A_75 = arith.constant 257 : i32
    %broadcast_in_dim3A_76 = vector.broadcast %jit3A_75 : i32 to vector<1024x256xi32>
    %select_n3A_77 = arith.select %eq3A_74, %iota3A, %broadcast_in_dim3A_76 : vector<1024x256xi1>, vector<1024x256xi32>
    %reduce_min3A_78 = arith.constant dense<2147483647> : vector<1024xi32>
    %reduce_min3A_79 = vector.multi_reduction <minsi>, %select_n3A_77, %reduce_min3A_78 [1] : vector<1024x256xi32> to vector<1024xi32>
    %broadcast_in_dim3A_80 = vector.shape_cast %reduce_min3A_79 : vector<1024xi32> to vector<1024x1xi32>
    %eq3A_81 = vector.broadcast %broadcast_in_dim3A_80 : vector<1024x1xi32> to vector<1024x256xi32>
    %eq3A_82 = arith.cmpi eq, %iota3A, %eq3A_81 : vector<1024x256xi32>
    %max3A_83 = arith.constant 0.000000e+00 : f32
    %max3A_84 = vector.broadcast %max3A_83 : f32 to vector<1024x1xf32>
    %max3A_85 = arith.maximumf %broadcast_in_dim3A_72, %max3A_84 : vector<1024x1xf32>
    %add3A_86 = arith.constant 9.99999993E-9 : f32
    %add3A_87 = vector.broadcast %add3A_86 : f32 to vector<1024x1xf32>
    %add3A_88 = arith.addf %max3A_85, %add3A_87 : vector<1024x1xf32>
    %div3A_89 = arith.constant 1.000000e+00 : f32
    %div3A_90 = vector.broadcast %div3A_89 : f32 to vector<1024x1xf32>
    %div3A_91 = arith.divf %div3A_90, %add3A_88 : vector<1024x1xf32>
    %add3A_92 = arith.addf %add3A_66, %div3A_91 : vector<1024x1xf32>
    %broadcast_in_dim3A_93 = arith.constant 0.000000e+00 : f32
    %broadcast_in_dim3A_94 = vector.broadcast %broadcast_in_dim3A_93 : f32 to vector<1024x256xf32>
    %div3A_95 = arith.divf %div3A_39, %add3A_92 : vector<1024x1xf32>
    %jit3A_96 = arith.constant 0.000000e+00 : f32
    %broadcast_in_dim3A_97 = vector.shape_cast %div3A_95 : vector<1024x1xf32> to vector<1024x1xf32>
    %broadcast_in_dim3A_98 = vector.broadcast %broadcast_in_dim3A_97 : vector<1024x1xf32> to vector<1024x256xf32>
    %broadcast_in_dim3A_99 = vector.broadcast %jit3A_96 : f32 to vector<1024x256xf32>
    %select_n3A_100 = arith.select %eq3A_33, %broadcast_in_dim3A_98, %broadcast_in_dim3A_99 : vector<1024x256xi1>, vector<1024x256xf32>
    %add3A_101 = arith.addf %broadcast_in_dim3A_94, %select_n3A_100 : vector<1024x256xf32>
    %div3A_102 = arith.divf %div3A_65, %add3A_92 : vector<1024x1xf32>
    %jit3A_103 = arith.constant 0.000000e+00 : f32
    %broadcast_in_dim3A_104 = vector.shape_cast %div3A_102 : vector<1024x1xf32> to vector<1024x1xf32>
    %broadcast_in_dim3A_105 = vector.broadcast %broadcast_in_dim3A_104 : vector<1024x1xf32> to vector<1024x256xf32>
    %broadcast_in_dim3A_106 = vector.broadcast %jit3A_103 : f32 to vector<1024x256xf32>
    %select_n3A_107 = arith.select %eq3A_56, %broadcast_in_dim3A_105, %broadcast_in_dim3A_106 : vector<1024x256xi1>, vector<1024x256xf32>
    %add3A_108 = arith.addf %add3A_101, %select_n3A_107 : vector<1024x256xf32>
    %div3A_109 = arith.divf %div3A_91, %add3A_92 : vector<1024x1xf32>
    %jit3A_110 = arith.constant 0.000000e+00 : f32
    %broadcast_in_dim3A_111 = vector.shape_cast %div3A_109 : vector<1024x1xf32> to vector<1024x1xf32>
    %broadcast_in_dim3A_112 = vector.broadcast %broadcast_in_dim3A_111 : vector<1024x1xf32> to vector<1024x256xf32>
    %broadcast_in_dim3A_113 = vector.broadcast %jit3A_110 : f32 to vector<1024x256xf32>
    %select_n3A_114 = arith.select %eq3A_82, %broadcast_in_dim3A_112, %broadcast_in_dim3A_113 : vector<1024x256xi1>, vector<1024x256xf32>
    %add3A_115 = arith.addf %add3A_108, %select_n3A_114 : vector<1024x256xf32>
    %get3A_116 = arith.constant 0 : index
    %get3A_117 = arith.constant 0 : index
    %get3A_118 = arith.constant 0 : index
    %get3A_119 = vector.load %arg4[%get3A_116, %get3A_117, %get3A_118] : memref<1x256x256xf32, #tpu.memory_space<vmem>>, vector<1x256x256xf32>
    %get3A_120 = vector.shape_cast %get3A_119 : vector<1x256x256xf32> to vector<256x256xf32>
    %dot_general3A_121 = arith.constant dense<0.000000e+00> : vector<1024x256xf32>
    %dot_general3A_122 = tpu.matmul %add3A_115, %get3A_120, %dot_general3A_121 {dimension_numbers = #tpu.dot_dimension_numbers<[1], [0], [0], [1], [0, 0, 1, 1], [], []>, transpose_lhs_hint = false} : vector<1024x256xf32>, vector<256x256xf32>, vector<1024x256xf32> -> vector<1024x256xf32>
    %get3A_123 = arith.constant 0 : index
    %get3A_124 = arith.constant 0 : index
    %get3A_125 = arith.constant 0 : index
    %get3A_126 = vector.load %arg3[%get3A_123, %get3A_124, %get3A_125] : memref<1x1024x128xf32, #tpu.memory_space<vmem>>, vector<1x1024x128xf32>
    %get3A_127 = vector.shape_cast %get3A_126 : vector<1x1024x128xf32> to vector<1024x128xf32>
    %get3A_128 = arith.constant 0 : index
    %get3A_129 = arith.constant 0 : index
    %get3A_130 = vector.load %arg5[%get3A_128, %get3A_129] : memref<128x256xf32, #tpu.memory_space<vmem>>, vector<128x256xf32>
    %dot_general3A_131 = arith.constant dense<0.000000e+00> : vector<1024x256xf32>
    %dot_general3A_132 = tpu.matmul %get3A_127, %get3A_130, %dot_general3A_131 {dimension_numbers = #tpu.dot_dimension_numbers<[1], [0], [0], [1], [0, 0, 1, 1], [], []>, transpose_lhs_hint = false} : vector<1024x128xf32>, vector<128x256xf32>, vector<1024x256xf32> -> vector<1024x256xf32>
    %get3A_133 = arith.constant 0 : index
    %get3A_134 = arith.constant 0 : index
    %get3A_135 = vector.load %arg6[%get3A_133, %get3A_134] : memref<256x256xf32, #tpu.memory_space<vmem>>, vector<256x256xf32>
    %dot_general3A_136 = arith.constant dense<0.000000e+00> : vector<1024x256xf32>
    %dot_general3A_137 = tpu.matmul %dot_general3A_122, %get3A_135, %dot_general3A_136 {dimension_numbers = #tpu.dot_dimension_numbers<[1], [0], [0], [1], [0, 0, 1, 1], [], []>, transpose_lhs_hint = false} : vector<1024x256xf32>, vector<256x256xf32>, vector<1024x256xf32> -> vector<1024x256xf32>
    %add3A_138 = arith.addf %dot_general3A_132, %dot_general3A_137 : vector<1024x256xf32>
    %get3A_139 = arith.constant 0 : index
    %get3A_140 = arith.constant 0 : index
    %get3A_141 = vector.load %arg7[%get3A_139, %get3A_140] : memref<1x256xf32, #tpu.memory_space<vmem>>, vector<1x256xf32>
    %add3A_142 = vector.broadcast %get3A_141 : vector<1x256xf32> to vector<1024x256xf32>
    %add3A_143 = arith.addf %add3A_138, %add3A_142 : vector<1024x256xf32>
    %max3A_144 = arith.constant 0.000000e+00 : f32
    %max3A_145 = vector.broadcast %max3A_144 : f32 to vector<1024x256xf32>
    %max3A_146 = arith.maximumf %add3A_143, %max3A_145 : vector<1024x256xf32>
    %get3A_147 = arith.constant 0 : index
    %get3A_148 = arith.constant 0 : index
    %get3A_149 = vector.load %arg8[%get3A_147, %get3A_148] : memref<256x256xf32, #tpu.memory_space<vmem>>, vector<256x256xf32>
    %dot_general3A_150 = arith.constant dense<0.000000e+00> : vector<1024x256xf32>
    %dot_general3A_151 = tpu.matmul %max3A_146, %get3A_149, %dot_general3A_150 {dimension_numbers = #tpu.dot_dimension_numbers<[1], [0], [0], [1], [0, 0, 1, 1], [], []>, transpose_lhs_hint = false} : vector<1024x256xf32>, vector<256x256xf32>, vector<1024x256xf32> -> vector<1024x256xf32>
    %get3A_152 = arith.constant 0 : index
    %get3A_153 = arith.constant 0 : index
    %get3A_154 = vector.load %arg9[%get3A_152, %get3A_153] : memref<1x256xf32, #tpu.memory_space<vmem>>, vector<1x256xf32>
    %add3A_155 = vector.broadcast %get3A_154 : vector<1x256xf32> to vector<1024x256xf32>
    %add3A_156 = arith.addf %dot_general3A_151, %add3A_155 : vector<1024x256xf32>
    %max3A_157 = arith.constant 0.000000e+00 : f32
    %max3A_158 = vector.broadcast %max3A_157 : f32 to vector<1024x256xf32>
    %max3A_159 = arith.maximumf %add3A_156, %max3A_158 : vector<1024x256xf32>
    %swap3A = arith.constant 0 : index
    %swap3A_160 = arith.constant 0 : index
    %swap3A_161 = arith.constant 0 : index
    %swap3A_162 = vector.load %arg10[%swap3A, %swap3A_160, %swap3A_161] : memref<1x1024x256xf32, #tpu.memory_space<vmem>>, vector<1x1024x256xf32>
    %swap3A_163 = vector.shape_cast %swap3A_162 : vector<1x1024x256xf32> to vector<1024x256xf32>
    %swap3A_164 = vector.shape_cast %max3A_159 : vector<1024x256xf32> to vector<1x1024x256xf32>
    tpu.vector_store %arg10[%swap3A, %swap3A_160, %swap3A_161], %swap3A_164 {strides = array<i32>} : memref<1x1024x256xf32, #tpu.memory_space<vmem>>, vector<1x1024x256xf32>,
    return
  }
  func.func @transform_0(%arg0: i32) -> (i32, i32, i32) {
    %c0_i32 = arith.constant 0 : i32
    %c0_i32_0 = arith.constant 0 : i32
    %c0_i32_1 = arith.constant 0 : i32
    return %arg0, %c0_i32, %c0_i32_0 : i32, i32, i32
  }
  func.func @transform_1(%arg0: i32) -> (i32, i32, i32) {
    %c0_i32 = arith.constant 0 : i32
    %c0_i32_0 = arith.constant 0 : i32
    %c0_i32_1 = arith.constant 0 : i32
    return %arg0, %c0_i32, %c0_i32_0 : i32, i32, i32
  }
  func.func @transform_2(%arg0: i32) -> (i32, i32, i32) {
    %c0_i32 = arith.constant 0 : i32
    %c0_i32_0 = arith.constant 0 : i32
    %c0_i32_1 = arith.constant 0 : i32
    return %arg0, %c0_i32, %c0_i32_0 : i32, i32, i32
  }
  func.func @transform_3(%arg0: i32) -> (i32, i32, i32) {
    %c0_i32 = arith.constant 0 : i32
    %c0_i32_0 = arith.constant 0 : i32
    %c0_i32_1 = arith.constant 0 : i32
    return %arg0, %c0_i32, %c0_i32_0 : i32, i32, i32
  }
  func.func @transform_4(%arg0: i32) -> (i32, i32) {
    %c0_i32 = arith.constant 0 : i32
    %c0_i32_0 = arith.constant 0 : i32
    %c0_i32_1 = arith.constant 0 : i32
    return %c0_i32, %c0_i32_0 : i32, i32
  }
  func.func @transform_5(%arg0: i32) -> (i32, i32) {
    %c0_i32 = arith.constant 0 : i32
    %c0_i32_0 = arith.constant 0 : i32
    %c0_i32_1 = arith.constant 0 : i32
    return %c0_i32, %c0_i32_0 : i32, i32
  }
  func.func @transform_6(%arg0: i32) -> (i32, i32) {
    %c0_i32 = arith.constant 0 : i32
    %c0_i32_0 = arith.constant 0 : i32
    %c0_i32_1 = arith.constant 0 : i32
    return %c0_i32, %c0_i32_0 : i32, i32
  }
  func.func @transform_7(%arg0: i32) -> (i32, i32) {
    %c0_i32 = arith.constant 0 : i32
    %c0_i32_0 = arith.constant 0 : i32
    %c0_i32_1 = arith.constant 0 : i32
    return %c0_i32, %c0_i32_0 : i32, i32
  }
  func.func @transform_8(%arg0: i32) -> (i32, i32) {
    %c0_i32 = arith.constant 0 : i32
    %c0_i32_0 = arith.constant 0 : i32
    %c0_i32_1 = arith.constant 0 : i32
    return %c0_i32, %c0_i32_0 : i32, i32
  }
  func.func @transform_9(%arg0: i32) -> (i32, i32, i32) {
    %c0_i32 = arith.constant 0 : i32
    %c0_i32_0 = arith.constant 0 : i32
    %c0_i32_1 = arith.constant 0 : i32
    return %arg0, %c0_i32, %c0_i32_0 : i32, i32, i32
  }
}

</mosaic_0001>

<sc_bundles>
// kernel: kernel.13.cloned.1.call-start
scs
__scs_entry_jumppad:
0x0: {  	(pc) =	sbr.rel $0x88, $3  }
0x1: {  	(tag) =	ssettag $0x0;
	lr =	simm.s32 $0x1  }
0x2: {  	[smem:$0x3F90] =	sst lr;
	_ =	strace $0xD0000000  }
0x3: {  	_ = 	snop  }
0x4: {  	_ = 	snop  }
0x5: {  	_ = 	snop  }
0x6: {  	_ = 	snop  }
0x7: {  	_ = 	snop  }
__scs_overlays_trampoline_lowered:
0x8: {  	[smem:$0x3F9F] =	sst s0  }
0x9: {  	[smem:$0x3FA0] =	sst s1  }
0xa: {  	[smem:$0x3FA1] =	sst s2  }
0xb: {  	[smem:$0x3FA2] =	sst s3  }
0xc: {  	[smem:$0x3FA3] =	sst s4  }
0xd: {  	[smem:$0x3FA4] =	sst s5  }
0xe: {  	[smem:$0x3FA5] =	sst s6  }
0xf: {  	[smem:$0x3FA6] =	sst s7  }
0x10: {  	[smem:$0x3FA7] =	sst s8  }
0x11: {  	[smem:$0x3FA8] =	sst s9;
	s0 =	simm.s32 @!p0 $0x0  }
0x12: {  	s1 =	sld [smem:$0x3F8E];
	s0 =	simm.s32 @p0 $0x1  }
0x13: {  	[smem:$0x3FA9] =	sst s0;
	s0 =	simm.s32 @!p1 $0x0  }
0x14: {  	s2 =	sld [smem:$0x3F8D];
	s0 =	simm.s32 @p1 $0x1  }
0x15: {  	[smem:$0x3FAA] =	sst s0;
	s0 =	simm.s32 @!p2 $0x0  }
0x16: {  	s3 =	sld [smem:$0x3FDB];
	s0 =	simm.s32 @p2 $0x1  }
0x17: {  	s4 =	simm.s32 $0x1BF5;
	[smem:$0x3FAC] =	sst s0  }
0x18: {  	s0 =	sld [smem:$0x3F8F];
	_ =	swait.ge [sflag:s4], $0x0  }
0x19: {  	s7 =	sld [smem:$0x3F90]  }
0x1a: {  	s8 =	sadd.s32 $0xFFFFE003, lr  }
0x1b: {  	s9 =	sadd.s32 $0xFFFFFEF7, lr;
	s5 =	simm.s32 $0xFFFFFFFF;
	p2 =	slt.u32 s8, $0xFFFFF086  }
0x1c: {  	p1 =	slt.u32 s9, $0xF7A;
	s5 =	simm.s32 @!p2 $0x0  }
0x1d: {  	s5 =	simm.s32 @p1 $0x1;
	p0 =	seq.s32 s7, s2  }
0x1e: {  	s7 =	smul.u32 @!p0 $0xF7A, s2;
	p2 =	seq.s32 @!p0 s5, $0x0  }
0x1f: {  	s9 =	smul.u32 $0xF7A, s1;
	s8 =	simm.s32 @!p0 $0x1BF5;
	p2 =	por !p2, p0  }
0x20: {  	[sflag:s8] =	ssyncset.s32 @!p0 $0xFFFFF086;
	s6 =	sadd.s32 @!p0 s3, s7;
	s7 =	simm.s32 @!p0 $0x108  }
0x21: {  	s3 =	sadd.s32 s3, s9;
	s6 =	sadd.s32 @!p0 $0x88, s6;
	s7 =	simm.s32 @p2 $0x1082  }
0x22: {  	[simem:s7], [sflag:s8] =	dma.local @!p0 [hbm:s6], $0xF7A  }
0x23: {  	s9 =	sor.u32 $0xD0000000, s2;
	s6 =	simm.s32 $0x108;
	_ =	swait.ge @!p0 [sflag:s8], $0x0  }
0x24: {  	s3 =	sadd.s32 $0x88, s3;
	s6 =	simm.s32 @!p1 $0x1082;
	[sflag:s4] =	ssyncset.s32 $0xFFFFF086  }
0x25: {  	[simem:s6], [sflag:s4] =	dma.local [hbm:s3], $0xF7A  }
0x26: {  	[smem:$0x3F90] =	sst s1;
	(tag) =	ssettag s2;
	_ =	strace s9  }
0x27: {  	s1 =	sld [smem:$0x3FA0]  }
0x28: {  	s2 =	sld [smem:$0x3FA1]  }
0x29: {  	s4 =	sld [smem:$0x3FA3]  }
0x2a: {  	p0 =	seq.s32 s5, $0x0;
	s5 =	sld [smem:$0x3FA4]  }
0x2b: {  	s6 =	sld [smem:$0x3FA5]  }
0x2c: {  	s7 =	sld [smem:$0x3FA6]  }
0x2d: {  	s3 =	simm.s32 $0x108;
	s8 =	sld [smem:$0x3FA7]  }
0x2e: {  	s3 =	simm.s32 @!p0 $0x1082;
	s9 =	sld [smem:$0x3FA8]  }
0x2f: {  	lr =	sadd.s32 s0, s3;
	s0 =	sld [smem:$0x3F9F]  }
0x30: {  	s3 =	sld [smem:$0x3FA2]  }
0x31: {  	[smem:$0x3FAB] =	sst s10  }
0x32: {  	s10 =	sld [smem:$0x3FA9];
	_ =	sdelay $0x3  }
0x33: {  	p0 =	seq.s32 s10, $0x1;
	s10 =	sld [smem:$0x3FAB];
	_ =	sdelay $0x3  }
0x34: {  	[smem:$0x3FAB] =	sst s10  }
0x35: {  	s10 =	sld [smem:$0x3FAA];
	_ =	sdelay $0x3  }
0x36: {  	p1 =	seq.s32 s10, $0x1;
	s10 =	sld [smem:$0x3FAB];
	_ =	sdelay $0x3  }
0x37: {  	[smem:$0x3FAB] =	sst s10  }
0x38: {  	s10 =	sld [smem:$0x3FAC]  }
0x39: {  	_ = 	snop;
	(pc) =	sbr.ind lr, $3  }
0x3a: {  	_ = 	snop  }
0x3b: {  	_ = 	snop  }
0x3c: {  	p2 =	seq.s32 s10, $0x1;
	s10 =	sld [smem:$0x3FAB]  }
0x3d: {  	_ =	shalt  }
0x3e: {  	_ =	shalt  }
0x3f: {  	_ =	shalt  }
0x40: {  	_ =	shalt  }
0x41: {  	_ =	shalt  }
0x42: {  	_ =	shalt  }
0x43: {  	_ =	shalt  }
0x44: {  	_ =	shalt  }
0x45: {  	_ =	shalt  }
0x46: {  	_ =	shalt  }
0x47: {  	_ =	shalt  }
0x48: {  	_ =	shalt  }
0x49: {  	_ =	shalt  }
0x4a: {  	_ =	shalt  }
0x4b: {  	_ =	shalt  }
0x4c: {  	_ =	shalt  }
0x4d: {  	_ =	shalt  }
0x4e: {  	_ =	shalt  }
0x4f: {  	_ =	shalt  }
0x50: {  	_ =	shalt  }
0x51: {  	_ =	shalt  }
0x52: {  	_ =	shalt  }
0x53: {  	_ =	shalt  }
0x54: {  	_ =	shalt  }
0x55: {  	_ =	shalt  }
0x56: {  	_ =	shalt  }
0x57: {  	_ =	shalt  }
0x58: {  	_ =	shalt  }
0x59: {  	_ =	shalt  }
0x5a: {  	_ =	shalt  }
0x5b: {  	_ =	shalt  }
0x5c: {  	_ =	shalt  }
0x5d: {  	_ =	shalt  }
0x5e: {  	_ =	shalt  }
0x5f: {  	_ =	shalt  }
0x60: {  	_ =	shalt  }
0x61: {  	_ =	shalt  }
0x62: {  	_ =	shalt  }
0x63: {  	_ =	shalt  }
0x64: {  	_ =	shalt  }
0x65: {  	_ =	shalt  }
0x66: {  	_ =	shalt  }
0x67: {  	_ =	shalt  }
0x68: {  	_ =	shalt  }
0x69: {  	_ =	shalt  }
0x6a: {  	_ =	shalt  }
0x6b: {  	_ =	shalt  }
0x6c: {  	_ =	shalt  }
0x6d: {  	_ =	shalt  }
0x6e: {  	_ =	shalt  }
0x6f: {  	_ =	shalt  }
0x70: {  	_ =	shalt  }
0x71: {  	_ =	shalt  }
0x72: {  	_ =	shalt  }
0x73: {  	_ =	shalt  }
0x74: {  	_ =	shalt  }
0x75: {  	_ =	shalt  }
0x76: {  	_ =	shalt  }
0x77: {  	_ =	shalt  }
0x78: {  	_ =	shalt  }
0x79: {  	_ =	shalt  }
0x7a: {  	_ =	shalt  }
0x7b: {  	_ =	shalt  }
0x7c: {  	_ =	shalt  }
0x7d: {  	_ =	shalt  }
0x7e: {  	_ =	shalt  }
0x7f: {  	_ =	shalt  }
0x80: {  	_ =	shalt  }
0x81: {  	_ =	shalt  }
0x82: {  	_ =	shalt  }
0x83: {  	_ =	shalt  }
0x84: {  	_ =	shalt  }
0x85: {  	_ =	shalt  }
0x86: {  	_ =	shalt  }
0x87: {  	_ =	shalt  }
.Lfunc_end0:
.L_simem_size_0:
called_computation.1_lowered:
.L_overlay_start_0:
0x88: {  	s2 =	sld [smem:$0x3FD9]  }
0x89: {  	s3 =	sld [smem:$0x3FFE];
	_ =	sdelay $0x1  }
0x8a: {  	s1 =	srdreg.scid  }
0x8b: {  	s0 =	sand.u32 $0x1, s1  }
0x8c: {  	s16 =	sshll.u32 s0, $0xA;
	s2 =	sadd.s32 s3, s2  }
0x8d: {  	s2 =	sadd.s32 s2, s16  }
0x8e: {  	[smem:$0x3FB7] =	sst s2  }
0x8f: {  	_ = 	snop  }
0x90: {  	(tm) =	ssettm $0x1  }
0x91: {  	s17 =	sld [smem:$0x3FFB];
	_ =	sdelay $0x3  }
0x92: {  	_ =	strace s17  }
0x93: {  	s2 =	sld [smem:$0x3FFC];
	_ =	sdelay $0x3  }
0x94: {  	_ =	strace s2  }
0x95: {  	s2 =	sld [smem:$0x3FFD];
	_ =	sdelay $0x3  }
0x96: {  	_ =	strace s2  }
0x97: {  	_ =	strace $0x8FFFFFFF  }
0x98: {  	s18 =	sld [smem:$0x3FDB];
	_ =	sdelay $0x1  }
0x99: {  	s19 =	simm.s32 $_scs_section_size  }
0x9a: {  	s4 =	simm.s32 $_size__tile_overlayer_lowered;
	s5 =	simm.s32 $_tile_overlayer_lowered  }
0x9b: {  	s22 =	simm.s32 $0x1BFF;
	s21 =	sshll.u32 s5, $0x1;
	s2 =	sadd.s32 s19, s18  }
0x9c: {  	s6 =	simm.s32 $0x0;
	s20 =	sshll.u32 s4, $0x1;
	s4 =	sadd.s32 s21, s2  }
0x9d: {  	[timem:s6], [sflag:s22] =	dma.local [hbm:s4], s20  }
0x9e: {  	_ =	swait.ge [sflag:s22], s20  }
0x9f: {  	s3 =	ssub.s32 $0x0, s20;
	[sflag:s22] =	ssyncset.done $0x0  }
0xa0: {  	[sflag:s22] =	ssyncadd.s32 s3;
	_ =	sdelay $0x1  }
0xa1: {  	s23 =	simm.s32 $0x1B8B  }
0xa2: {  	_ =	swait.ge [sflag:s23], $0x1  }
0xa3: {  	[sflag:s23] =	ssyncset.done $0x0  }
0xa4: {  	s25 =	simm.s32 $0x1B8E;
	s24 =	sld [smem:$0x3FFE];
	[sflag:s23] =	ssyncadd.s32 $0xFFFFFFFF  }
0xa5: {  	s26 =	simm.s32 $execute0_lowered;
	[smem:$0x3FD2] =	sst s25  }
0xa6: {  	s4 =	sshll.u32 s26, $0x1;
	_ =	strace $0x80000049;
	[dreg:$0x1] =	wrdreg $0xFFFFFFFF  }
0xa7: {  	s28 =	simm.s32 $_size_execute0_lowered;
	s2 =	sadd.s32 s2, s4;
	[dreg:$0x0] =	wrdreg $0x0  }
0xa8: {  	s4 =	sshll.u32 s28, $0x1;
	[dreg:$0x2] =	wrdreg s2  }
0xa9: {  	[dreg:$0x3] =	wrdreg s4  }
0xaa: {  	[dreg:$0x4] =	wrdreg $0xC0  }
0xab: {  	_ =	task [dreg:s6], $0x5FFFF  }
0xac: {  	[dreg:$0x1] =	wrdreg $0xFFFFFFFF  }
0xad: {  	[dreg:$0x0] =	wrdreg $0x60  }
0xae: {  	[dreg:$0x2] =	wrdreg s24  }
0xaf: {  	[dreg:$0x3] =	wrdreg $0x9  }
0xb0: {  	_ =	task.clear_ibuf [dreg:s6], $0x4FFFF;
	_ =	strace $0x90000049  }
0xb1: {  	s29 =	simm.s32 $0x9;
	_ =	strace $0x8000004B  }
0xb2: {  	_ =	swait.ge [sflag:s29], $0x1  }
0xb3: {  	[sflag:s29] =	ssyncadd.s32 $0xFFFFFFFF  }
0xb4: {  	_ =	strace $0x9000004B  }
0xb5: {  	_ =	sfence  }
0xb6: {  	s30 =	sld [smem:$0x0];
	_ =	sdelay $0x2  }
0xb7: {  	s31 =	sshll.u32 s1, $0xD;
	s1 =	sshrl.u32 s1, $0x2  }
0xb8: {  	s3 =	sand.u32 $0x4000, s31;
	s1 =	sadd.s32 s1, s30  }
0xb9: {  	s0 =	sor.u32 s3, s0;
	s1 =	sshll.u32 s1, $0x11  }
0xba: {  	s0 =	sor.u32 s1, s0  }
0xbb: {  	s0 =	sadd.s32 $0x8F2B, s0  }
0xbc: {  	[sflag:s0] =	ssyncadd.remote.s32 $0x1  }
0xbd: {  	_ =	sfence.sel $0xFFFF  }
0xbe: {  	[dreg:$0x0] =	wrdreg $0xFFFFFFFF;
	(pc) =	sbr.abs _section_cstart, $3  }
0xbf: {  	[dreg:$0x1] =	wrdreg $0xFFFFFFFF  }
0xc0: {  	_ =	task.clear_ibuf [dreg:s6], $0x2FFFF;
	_ =	strace $0x9FFFFFFF  }
0xc1: {  	(tm) =	ssettm $0x7FFFFFFF  }
tec
execute0_lowered:
.L_overlay_start_1:
0x0: {  	(tag) =	ssettag $0x1  }
0x1: {  	s4 =	rddreg [dreg:$0x0]  }
0x2: {  	s0 =	rddreg [dreg:$0x1];
	s2 =	simm.s32 $0x0;
	s3 =	srdreg.scid  }
0x3: {  	s1 =	stileid.u32;
	s10 =	simm.s32 $0x0;
	[smem:$0x7FF] =	sst s2  }
0x4: {  	s5 =	sand.u32 $0x1, s3;
	s6 =	sshll.u32 s1, $0xD;
	s3 =	sadd.s32 $0x803000, s4  }
0x5: {  	s8 =	sshll.u32 s1, $0x11;
	_ =	strace $0x8000004A;
	s7 =	sshll.u32 s5, $0xC  }
0x6: {  	s31 =	ssub.s32 $0x2, s5;
	s8 =	sadd.s32 s8, s4;
	s5 =	sshll.u32 s5, $0x10  }
0x7: {  	s6 =	sor.u32 s7, s6;
	s9 =	sshrl.u32 s31, $0x1;
	s5 =	sadd.s32 s5, s8  }
0x8: {  	s8 =	simm.s32 $0x80;
	s6 =	sshrl.u32 s6, $0x3;
	s7 =	ssub.s32 s31, s9  }
0x9: {  	s5 =	sadd.s32 $0x6E00, s5;
	s9 =	simm.s32 $0x1;
	s6 =	sadd.s32 s6, s4  }
0xa: {  	s4 =	smax.u32 s7, $0x1;
	s7 =	simm.s32 $0x2;
	s6 =	sadd.s32 $0x2E00, s6  }
.LBB2_1:
0xb: {  	s11 =	sadd.s32 $0x0, s6  }
0xc: {  	[tilespmem:s2], [sflag:$0x2] =	stream.linear.gather [hbm4b:s11+s2], $0x80, $0x38;
	[tilespmem:$0x4080] =	vst v63  }
0xd: {  	_ =	swait.ge [sflag:s7], $0x80  }
0xe: {  	[sflag:s7] =	ssyncset.done $0x0  }
0xf: {  	[sflag:s7] =	ssyncadd.s32 $0xFFFFFF80  }
0x10: {  	[tilespmem:s8], [sflag:$0x1] =	stream.indirect.gather [hbm4b:s3+s8], $0x80, s2, s8, $0xb8;
	[tilespmem:$0x4080] =	vst v63  }
0x11: {  	_ =	swait.ge [sflag:s9], $0x4000  }
0x12: {  	[sflag:s9] =	ssyncset.done $0x0  }
0x13: {  	[sflag:s9] =	ssyncadd.s32 $0xFFFFC000  }
0x14: {  	[hbm4b:s5+s2] =	stream.linear.scatter [tilespmem:s8], [sflag:$0x2], $0x4000, $0x38;
	[tilespmem:$0x4080] =	vst v63  }
0x15: {  	s12 =	simm.s32 $0x10;
	_ =	swait.ge [sflag:s7], $0x4000  }
0x16: {  	s13 =	simm.s32 $0x20;
	s11 =	sadd.s32 $0x800, s5;
	[sflag:s7] =	ssyncset.done $0x0  }
.LBB2_2:
0x17: {  	s14 =	sadd.s32 s12, s6  }
0x18: {  	[sflag:s7] =	ssyncadd.s32 $0xFFFFC000;
	s12 =	smov.u32 s13;
	s15 =	sadd.s32 $0x10, s13  }
0x19: {  	[tilespmem:s2], [sflag:$0x2] =	stream.linear.gather [hbm4b:s14+s2], $0x80, $0x38;
	[tilespmem:$0x4080] =	vst v63  }
0x1a: {  	p0 =	sne.s32 s13, $0x1F0;
	_ =	swait.ge [sflag:s7], $0x80  }
0x1b: {  	[sflag:s7] =	ssyncset.done $0x0  }
0x1c: {  	[sflag:s7] =	ssyncadd.s32 $0xFFFFFF80  }
0x1d: {  	[tilespmem:s8], [sflag:$0x1] =	stream.indirect.gather [hbm4b:s3+s8], $0x80, s2, s8, $0xb8;
	[tilespmem:$0x4080] =	vst v63  }
0x1e: {  	_ =	swait.ge [sflag:s9], $0x4000  }
.Ltmp0:
0x1f: {  	[sflag:s9] =	ssyncset.done $0x0;
	(pc) =	sbr.rel @p0 .LBB2_2-.Ltmp0, $4  }
0x20: {  	[sflag:s9] =	ssyncadd.s32 $0xFFFFC000  }
0x21: {  	[hbm4b:s11+s2] =	stream.linear.scatter [tilespmem:s8], [sflag:$0x2], $0x4000, $0x38;
	[tilespmem:$0x4080] =	vst v63  }
0x22: {  	_ =	swait.ge [sflag:s7], $0x4000  }
0x23: {  	s13 =	smov.u32 s15;
	s11 =	sadd.s32 $0x800, s11;
	[sflag:s7] =	ssyncset.done $0x0  }
0x24: {  	s12 =	sadd.s32 s12, s6;
	[sflag:s7] =	ssyncadd.s32 $0xFFFFC000  }
0x25: {  	[tilespmem:s2], [sflag:$0x2] =	stream.linear.gather [hbm4b:s12+s2], $0x80, $0x38;
	[tilespmem:$0x4080] =	vst v63  }
0x26: {  	_ =	swait.ge [sflag:s7], $0x80  }
0x27: {  	[sflag:s7] =	ssyncset.done $0x0  }
0x28: {  	[sflag:s7] =	ssyncadd.s32 $0xFFFFFF80  }
0x29: {  	[tilespmem:s8], [sflag:$0x1] =	stream.indirect.gather [hbm4b:s3+s8], $0x80, s2, s8, $0xb8;
	[tilespmem:$0x4080] =	vst v63  }
0x2a: {  	s10 =	sadd.s32 $0x1, s10;
	_ =	swait.ge [sflag:s9], $0x4000  }
0x2b: {  	p0 =	sne.s32 s10, s4;
	[sflag:s9] =	ssyncset.done $0x0  }
.Ltmp1:
0x2c: {  	[sflag:s9] =	ssyncadd.s32 $0xFFFFC000;
	(pc) =	sbr.rel @p0 .LBB2_1-.Ltmp1, $4  }
0x2d: {  	[hbm4b:s11+s2] =	stream.linear.scatter [tilespmem:s8], [sflag:$0x2], $0x4000, $0x38;
	[tilespmem:$0x4080] =	vst v63  }
0x2e: {  	_ =	swait.ge [sflag:s7], $0x4000  }
0x2f: {  	[sflag:s7] =	ssyncset.done $0x0  }
0x30: {  	[sflag:s7] =	ssyncadd.s32 $0xFFFFC000  }
0x31: {  	_ =	sfence.sel $0x180000  }
0x32: {  	[bflag:$0x0] =	sbarrier.arrive $0xFFFF  }
0x33: {  	p0 =	sne.s32 s1, $0x0;
	_ =	strace $0x9000004A  }
0x34: {  	s0 =	sadd.s32 @!p0 $0x100000, s0;
	[bflag:$0x2] =	sbarrier.arrive $0xFFFF  }
0x35: {  	[sflag:s0] =	ssyncadd.tile.s32 @!p0 $0x1;
	_ =	shalt  }
.Lfunc_end2:
_tile_overlayer_lowered:
.L_overlay_start_2:
0x36: {  	(tag) =	ssettag $0x2  }
0x37: {  	s0 =	rddreg [dreg:$0x0];
	s2 =	stileid.u32  }
0x38: {  	s1 =	rddreg [dreg:$0x1];
	p0 =	sne.s32 s2, $0x0  }
0x39: {  	s3 =	rddreg [dreg:$0x2];
	[bflag:$0x3] =	sbarrier.arrive $0xFFFF;
	s2 =	simm.s32 @!p0 $0x1C02  }
0x3a: {  	[timem:s3], [sflag:s2] =	dma.local @!p0 [hbm:s0], s1  }
0x3b: {  	s0 =	simm.s32 @!p0 $0x2  }
0x3c: {  	_ =	swait.ge @!p0 [sflag:s0], s1  }
0x3d: {  	s1 =	ssub.s32 @!p0 $0x0, s1;
	[sflag:s0] =	ssyncset.done @!p0 $0x0  }
0x3e: {  	[sflag:s0] =	ssyncadd.s32 @!p0 s1  }
0x3f: {  	[bflag:$0x3] =	sbarrier.arrive $0xFFFF  }
0x40: {  	_ =	shalt  }

// kernel: kernel.16.cloned.1.call-start
scs
__scs_entry_jumppad:
0x0: {  	(pc) =	sbr.rel $0x88, $3  }
0x1: {  	(tag) =	ssettag $0x0;
	lr =	simm.s32 $0x1  }
0x2: {  	[smem:$0x3F90] =	sst lr;
	_ =	strace $0xD0000000  }
0x3: {  	_ = 	snop  }
0x4: {  	_ = 	snop  }
0x5: {  	_ = 	snop  }
0x6: {  	_ = 	snop  }
0x7: {  	_ = 	snop  }
__scs_overlays_trampoline_lowered:
0x8: {  	[smem:$0x3F9F] =	sst s0  }
0x9: {  	[smem:$0x3FA0] =	sst s1  }
0xa: {  	[smem:$0x3FA1] =	sst s2  }
0xb: {  	[smem:$0x3FA2] =	sst s3  }
0xc: {  	[smem:$0x3FA3] =	sst s4  }
0xd: {  	[smem:$0x3FA4] =	sst s5  }
0xe: {  	[smem:$0x3FA5] =	sst s6  }
0xf: {  	[smem:$0x3FA6] =	sst s7  }
0x10: {  	[smem:$0x3FA7] =	sst s8  }
0x11: {  	[smem:$0x3FA8] =	sst s9;
	s0 =	simm.s32 @!p0 $0x0  }
0x12: {  	s1 =	sld [smem:$0x3F8E];
	s0 =	simm.s32 @p0 $0x1  }
0x13: {  	[smem:$0x3FA9] =	sst s0;
	s0 =	simm.s32 @!p1 $0x0  }
0x14: {  	s2 =	sld [smem:$0x3F8D];
	s0 =	simm.s32 @p1 $0x1  }
0x15: {  	[smem:$0x3FAA] =	sst s0;
	s0 =	simm.s32 @!p2 $0x0  }
0x16: {  	s3 =	sld [smem:$0x3FDB];
	s0 =	simm.s32 @p2 $0x1  }
0x17: {  	s4 =	simm.s32 $0x1BF5;
	[smem:$0x3FAC] =	sst s0  }
0x18: {  	s0 =	sld [smem:$0x3F8F];
	_ =	swait.ge [sflag:s4], $0x0  }
0x19: {  	s7 =	sld [smem:$0x3F90]  }
0x1a: {  	s8 =	sadd.s32 $0xFFFFE003, lr  }
0x1b: {  	s9 =	sadd.s32 $0xFFFFFEF7, lr;
	s5 =	simm.s32 $0xFFFFFFFF;
	p2 =	slt.u32 s8, $0xFFFFF086  }
0x1c: {  	p1 =	slt.u32 s9, $0xF7A;
	s5 =	simm.s32 @!p2 $0x0  }
0x1d: {  	s5 =	simm.s32 @p1 $0x1;
	p0 =	seq.s32 s7, s2  }
0x1e: {  	s7 =	smul.u32 @!p0 $0xF7A, s2;
	p2 =	seq.s32 @!p0 s5, $0x0  }
0x1f: {  	s9 =	smul.u32 $0xF7A, s1;
	s8 =	simm.s32 @!p0 $0x1BF5;
	p2 =	por !p2, p0  }
0x20: {  	[sflag:s8] =	ssyncset.s32 @!p0 $0xFFFFF086;
	s6 =	sadd.s32 @!p0 s3, s7;
	s7 =	simm.s32 @!p0 $0x108  }
0x21: {  	s3 =	sadd.s32 s3, s9;
	s6 =	sadd.s32 @!p0 $0x88, s6;
	s7 =	simm.s32 @p2 $0x1082  }
0x22: {  	[simem:s7], [sflag:s8] =	dma.local @!p0 [hbm:s6], $0xF7A  }
0x23: {  	s9 =	sor.u32 $0xD0000000, s2;
	s6 =	simm.s32 $0x108;
	_ =	swait.ge @!p0 [sflag:s8], $0x0  }
0x24: {  	s3 =	sadd.s32 $0x88, s3;
	s6 =	simm.s32 @!p1 $0x1082;
	[sflag:s4] =	ssyncset.s32 $0xFFFFF086  }
0x25: {  	[simem:s6], [sflag:s4] =	dma.local [hbm:s3], $0xF7A  }
0x26: {  	[smem:$0x3F90] =	sst s1;
	(tag) =	ssettag s2;
	_ =	strace s9  }
0x27: {  	s1 =	sld [smem:$0x3FA0]  }
0x28: {  	s2 =	sld [smem:$0x3FA1]  }
0x29: {  	s4 =	sld [smem:$0x3FA3]  }
0x2a: {  	p0 =	seq.s32 s5, $0x0;
	s5 =	sld [smem:$0x3FA4]  }
0x2b: {  	s6 =	sld [smem:$0x3FA5]  }
0x2c: {  	s7 =	sld [smem:$0x3FA6]  }
0x2d: {  	s3 =	simm.s32 $0x108;
	s8 =	sld [smem:$0x3FA7]  }
0x2e: {  	s3 =	simm.s32 @!p0 $0x1082;
	s9 =	sld [smem:$0x3FA8]  }
0x2f: {  	lr =	sadd.s32 s0, s3;
	s0 =	sld [smem:$0x3F9F]  }
0x30: {  	s3 =	sld [smem:$0x3FA2]  }
0x31: {  	[smem:$0x3FAB] =	sst s10  }
0x32: {  	s10 =	sld [smem:$0x3FA9];
	_ =	sdelay $0x3  }
0x33: {  	p0 =	seq.s32 s10, $0x1;
	s10 =	sld [smem:$0x3FAB];
	_ =	sdelay $0x3  }
0x34: {  	[smem:$0x3FAB] =	sst s10  }
0x35: {  	s10 =	sld [smem:$0x3FAA];
	_ =	sdelay $0x3  }
0x36: {  	p1 =	seq.s32 s10, $0x1;
	s10 =	sld [smem:$0x3FAB];
	_ =	sdelay $0x3  }
0x37: {  	[smem:$0x3FAB] =	sst s10  }
0x38: {  	s10 =	sld [smem:$0x3FAC]  }
0x39: {  	_ = 	snop;
	(pc) =	sbr.ind lr, $3  }
0x3a: {  	_ = 	snop  }
0x3b: {  	_ = 	snop  }
0x3c: {  	p2 =	seq.s32 s10, $0x1;
	s10 =	sld [smem:$0x3FAB]  }
0x3d: {  	_ =	shalt  }
0x3e: {  	_ =	shalt  }
0x3f: {  	_ =	shalt  }
0x40: {  	_ =	shalt  }
0x41: {  	_ =	shalt  }
0x42: {  	_ =	shalt  }
0x43: {  	_ =	shalt  }
0x44: {  	_ =	shalt  }
0x45: {  	_ =	shalt  }
0x46: {  	_ =	shalt  }
0x47: {  	_ =	shalt  }
0x48: {  	_ =	shalt  }
0x49: {  	_ =	shalt  }
0x4a: {  	_ =	shalt  }
0x4b: {  	_ =	shalt  }
0x4c: {  	_ =	shalt  }
0x4d: {  	_ =	shalt  }
0x4e: {  	_ =	shalt  }
0x4f: {  	_ =	shalt  }
0x50: {  	_ =	shalt  }
0x51: {  	_ =	shalt  }
0x52: {  	_ =	shalt  }
0x53: {  	_ =	shalt  }
0x54: {  	_ =	shalt  }
0x55: {  	_ =	shalt  }
0x56: {  	_ =	shalt  }
0x57: {  	_ =	shalt  }
0x58: {  	_ =	shalt  }
0x59: {  	_ =	shalt  }
0x5a: {  	_ =	shalt  }
0x5b: {  	_ =	shalt  }
0x5c: {  	_ =	shalt  }
0x5d: {  	_ =	shalt  }
0x5e: {  	_ =	shalt  }
0x5f: {  	_ =	shalt  }
0x60: {  	_ =	shalt  }
0x61: {  	_ =	shalt  }
0x62: {  	_ =	shalt  }
0x63: {  	_ =	shalt  }
0x64: {  	_ =	shalt  }
0x65: {  	_ =	shalt  }
0x66: {  	_ =	shalt  }
0x67: {  	_ =	shalt  }
0x68: {  	_ =	shalt  }
0x69: {  	_ =	shalt  }
0x6a: {  	_ =	shalt  }
0x6b: {  	_ =	shalt  }
0x6c: {  	_ =	shalt  }
0x6d: {  	_ =	shalt  }
0x6e: {  	_ =	shalt  }
0x6f: {  	_ =	shalt  }
0x70: {  	_ =	shalt  }
0x71: {  	_ =	shalt  }
0x72: {  	_ =	shalt  }
0x73: {  	_ =	shalt  }
0x74: {  	_ =	shalt  }
0x75: {  	_ =	shalt  }
0x76: {  	_ =	shalt  }
0x77: {  	_ =	shalt  }
0x78: {  	_ =	shalt  }
0x79: {  	_ =	shalt  }
0x7a: {  	_ =	shalt  }
0x7b: {  	_ =	shalt  }
0x7c: {  	_ =	shalt  }
0x7d: {  	_ =	shalt  }
0x7e: {  	_ =	shalt  }
0x7f: {  	_ =	shalt  }
0x80: {  	_ =	shalt  }
0x81: {  	_ =	shalt  }
0x82: {  	_ =	shalt  }
0x83: {  	_ =	shalt  }
0x84: {  	_ =	shalt  }
0x85: {  	_ =	shalt  }
0x86: {  	_ =	shalt  }
0x87: {  	_ =	shalt  }
.Lfunc_end0:
.L_simem_size_0:
called_computation.2_lowered:
.L_overlay_start_0:
0x88: {  	s2 =	sld [smem:$0x3FD9]  }
0x89: {  	s3 =	sld [smem:$0x3FFE];
	_ =	sdelay $0x1  }
0x8a: {  	s1 =	srdreg.scid  }
0x8b: {  	s0 =	sand.u32 $0x1, s1  }
0x8c: {  	s14 =	sshll.u32 s0, $0xA;
	s2 =	sadd.s32 s3, s2  }
0x8d: {  	s2 =	sadd.s32 s2, s14  }
0x8e: {  	[smem:$0x3FB7] =	sst s2  }
0x8f: {  	_ = 	snop  }
0x90: {  	s2 =	sld [smem:$0x3FD0];
	_ =	sdelay $0x2  }
0x91: {  	s15 =	simm.s32 $0xA;
	s4 =	simm.s32 $0x10  }
0x92: {  	[smem:s4], [sflag:s15] =	dma.local [hbm:s2], $0x1  }
0x93: {  	_ =	swait.eq [sflag:s15], $0x1  }
0x94: {  	[sflag:s15] =	ssyncset.done $0x0  }
0x95: {  	[sflag:s15] =	ssyncadd.s32 $0xFFFFFFFF  }
0x96: {  	s16 =	sld [smem:$0x10];
	(tm) =	ssettm $0x1  }
0x97: {  	s17 =	sld [smem:$0x3FFB];
	_ =	sdelay $0x3  }
0x98: {  	_ =	strace s17  }
0x99: {  	s3 =	sld [smem:$0x3FFC];
	_ =	sdelay $0x3  }
0x9a: {  	_ =	strace s3  }
0x9b: {  	s3 =	sld [smem:$0x3FFD];
	_ =	sdelay $0x3  }
0x9c: {  	_ =	strace s3  }
0x9d: {  	_ =	strace $0x8FFFFFFF  }
0x9e: {  	s18 =	sld [smem:$0x3FDB];
	_ =	sdelay $0x1  }
0x9f: {  	s19 =	simm.s32 $_scs_section_size  }
0xa0: {  	s5 =	simm.s32 $_size__tile_overlayer_lowered;
	s6 =	simm.s32 $_tile_overlayer_lowered  }
0xa1: {  	s22 =	simm.s32 $0x1BFF;
	s21 =	sshll.u32 s6, $0x1;
	s3 =	sadd.s32 s19, s18  }
0xa2: {  	s7 =	simm.s32 $0x0;
	s20 =	sshll.u32 s5, $0x1;
	s5 =	sadd.s32 s21, s3  }
0xa3: {  	[timem:s7], [sflag:s22] =	dma.local [hbm:s5], s20  }
0xa4: {  	_ =	swait.ge [sflag:s22], s20  }
0xa5: {  	s4 =	ssub.s32 $0x0, s20;
	[sflag:s22] =	ssyncset.done $0x0  }
0xa6: {  	[sflag:s22] =	ssyncadd.s32 s4;
	_ =	sdelay $0x1  }
0xa7: {  	s23 =	simm.s32 $0x1B8B  }
0xa8: {  	_ =	swait.ge [sflag:s23], $0x1  }
0xa9: {  	[sflag:s23] =	ssyncset.done $0x0  }
0xaa: {  	s25 =	simm.s32 $0x1B8E;
	s24 =	sld [smem:$0x3FFE];
	[sflag:s23] =	ssyncadd.s32 $0xFFFFFFFF  }
0xab: {  	s26 =	simm.s32 $execute0_lowered;
	[smem:$0x3FD2] =	sst s25  }
0xac: {  	s5 =	sshll.u32 s26, $0x1;
	_ =	strace $0x8000004C;
	[dreg:$0x1] =	wrdreg $0xFFFFFFFF  }
0xad: {  	s28 =	simm.s32 $_size_execute0_lowered;
	s3 =	sadd.s32 s3, s5;
	[dreg:$0x0] =	wrdreg $0x0  }
0xae: {  	s5 =	sshll.u32 s28, $0x1;
	[dreg:$0x2] =	wrdreg s3  }
0xaf: {  	[dreg:$0x3] =	wrdreg s5  }
0xb0: {  	[dreg:$0x4] =	wrdreg $0xC0  }
0xb1: {  	_ =	task [dreg:s7], $0x5FFFF  }
0xb2: {  	[dreg:$0x1] =	wrdreg $0xFFFFFFFF  }
0xb3: {  	[dreg:$0x0] =	wrdreg $0x60  }
0xb4: {  	[dreg:$0x2] =	wrdreg s16  }
0xb5: {  	[dreg:$0x3] =	wrdreg s24  }
0xb6: {  	[dreg:$0x4] =	wrdreg $0x9  }
0xb7: {  	_ =	task.clear_ibuf [dreg:s7], $0x5FFFF;
	_ =	strace $0x9000004C  }
0xb8: {  	s29 =	simm.s32 $0x9;
	_ =	strace $0x8000004E  }
0xb9: {  	_ =	swait.ge [sflag:s29], $0x1  }
0xba: {  	[sflag:s29] =	ssyncadd.s32 $0xFFFFFFFF  }
0xbb: {  	_ =	strace $0x9000004E  }
0xbc: {  	_ =	sfence  }
0xbd: {  	s30 =	sld [smem:$0x0];
	_ =	sdelay $0x2  }
0xbe: {  	s31 =	sshll.u32 s1, $0xD;
	s1 =	sshrl.u32 s1, $0x2  }
0xbf: {  	s3 =	sand.u32 $0x4000, s31;
	s1 =	sadd.s32 s1, s30  }
0xc0: {  	s0 =	sor.u32 s3, s0;
	s1 =	sshll.u32 s1, $0x11  }
0xc1: {  	s0 =	sor.u32 s1, s0  }
0xc2: {  	s0 =	sadd.s32 $0x8F2B, s0  }
0xc3: {  	[sflag:s0] =	ssyncadd.remote.s32 $0x1  }
0xc4: {  	_ =	sfence.sel $0xFFFF  }
0xc5: {  	[dreg:$0x0] =	wrdreg $0xFFFFFFFF;
	(pc) =	sbr.abs _section_cstart, $3  }
0xc6: {  	[dreg:$0x1] =	wrdreg $0xFFFFFFFF  }
0xc7: {  	_ =	task.clear_ibuf [dreg:s7], $0x2FFFF;
	_ =	strace $0x9FFFFFFF  }
0xc8: {  	(tm) =	ssettm $0x7FFFFFFF  }
0xc9: {  	_ =	shalt  }
tec
execute0_lowered:
.L_overlay_start_1:
0x0: {  	(tag) =	ssettag $0x1  }
0x1: {  	s1 =	srdreg.scid  }
0x2: {  	s2 =	rddreg [dreg:$0x0];
	s0 =	stileid.u32;
	s14 =	sand.u32 $0x1, s1  }
0x3: {  	s8 =	rddreg [dreg:$0x1];
	s4 =	sshll.u32 s0, $0xA;
	s5 =	sshll.u32 s14, $0x9  }
0x4: {  	s3 =	simm.s32 $0x0;
	s1 =	rddreg [dreg:$0x2];
	s13 =	sor.u32 s5, s4  }
0x5: {  	[smem:$0x7FF] =	sst s3;
	s15 =	sadd.s32 $0x206E00, s8;
	s4 =	sshrl.u32 s13, $0x3  }
0x6: {  	_ =	strace $0x8000004D;
	s5 =	sadd.s32 s15, s4;
	s4 =	simm.s32 $0x2  }
0x7: {  	[tilespmem:s3], [sflag:$0x2] =	stream.linear.gather [hbm4b:s5+s3], $0x80, $0x38;
	[tilespmem:$0x4080] =	vst v63  }
0x8: {  	_ =	swait.ge [sflag:s4], $0x80  }
0x9: {  	[sflag:s4] =	ssyncset.done $0x0  }
0xa: {  	s6 =	simm.s32 $0x80;
	s7 =	simm.s32 $0x1;
	[sflag:s4] =	ssyncadd.s32 $0xFFFFFF80  }
0xb: {  	[tilespmem:s6], [sflag:$0x1] =	stream.indirect.gather [hbm4b:s2+s6], $0x80, s3, s6, $0xb8;
	[tilespmem:$0x4080] =	vst v63  }
0xc: {  	_ =	swait.ge [sflag:s7], $0x4000  }
0xd: {  	s16 =	sadd.s32 $0x2A00, s8;
	s29 =	sshll.u32 s13, $0x4;
	[sflag:s7] =	ssyncset.done $0x0  }
0xe: {  	s8 =	sadd.s32 s16, s29;
	[sflag:s7] =	ssyncadd.s32 $0xFFFFC000  }
0xf: {  	[hbm4b:s8+s3] =	stream.linear.scatter [tilespmem:s6], [sflag:$0x2], $0x4000, $0x38;
	[tilespmem:$0x4080] =	vst v63  }
0x10: {  	s10 =	sor.u32 $0x80, s13;
	_ =	swait.ge [sflag:s4], $0x4000  }
0x11: {  	s9 =	sshrl.u32 s10, $0x3;
	[sflag:s4] =	ssyncset.done $0x0  }
0x12: {  	s9 =	sadd.s32 s15, s9;
	[sflag:s4] =	ssyncadd.s32 $0xFFFFC000  }
0x13: {  	[tilespmem:s3], [sflag:$0x2] =	stream.linear.gather [hbm4b:s9+s3], $0x80, $0x38;
	[tilespmem:$0x4080] =	vst v63  }
0x14: {  	_ =	swait.ge [sflag:s4], $0x80  }
0x15: {  	[sflag:s4] =	ssyncset.done $0x0  }
0x16: {  	[sflag:s4] =	ssyncadd.s32 $0xFFFFFF80  }
0x17: {  	[tilespmem:s6], [sflag:$0x1] =	stream.indirect.gather [hbm4b:s2+s6], $0x80, s3, s6, $0xb8;
	[tilespmem:$0x4080] =	vst v63  }
0x18: {  	_ =	swait.ge [sflag:s7], $0x4000  }
0x19: {  	s10 =	sshll.u32 s10, $0x4;
	[sflag:s7] =	ssyncset.done $0x0  }
0x1a: {  	s10 =	sadd.s32 s16, s10;
	[sflag:s7] =	ssyncadd.s32 $0xFFFFC000  }
0x1b: {  	[hbm4b:s10+s3] =	stream.linear.scatter [tilespmem:s6], [sflag:$0x2], $0x4000, $0x38;
	[tilespmem:$0x4080] =	vst v63  }
0x1c: {  	s12 =	sor.u32 $0x100, s13;
	_ =	swait.ge [sflag:s4], $0x4000  }
0x1d: {  	s11 =	sshrl.u32 s12, $0x3;
	[sflag:s4] =	ssyncset.done $0x0  }
0x1e: {  	s11 =	sadd.s32 s15, s11;
	[sflag:s4] =	ssyncadd.s32 $0xFFFFC000  }
0x1f: {  	[tilespmem:s3], [sflag:$0x2] =	stream.linear.gather [hbm4b:s11+s3], $0x80, $0x38;
	[tilespmem:$0x4080] =	vst v63  }
0x20: {  	_ =	swait.ge [sflag:s4], $0x80  }
0x21: {  	[sflag:s4] =	ssyncset.done $0x0  }
0x22: {  	[sflag:s4] =	ssyncadd.s32 $0xFFFFFF80  }
0x23: {  	[tilespmem:s6], [sflag:$0x1] =	stream.indirect.gather [hbm4b:s2+s6], $0x80, s3, s6, $0xb8;
	[tilespmem:$0x4080] =	vst v63  }
0x24: {  	_ =	swait.ge [sflag:s7], $0x4000  }
0x25: {  	s12 =	sshll.u32 s12, $0x4;
	[sflag:s7] =	ssyncset.done $0x0  }
0x26: {  	s12 =	sadd.s32 s16, s12;
	[sflag:s7] =	ssyncadd.s32 $0xFFFFC000  }
0x27: {  	[hbm4b:s12+s3] =	stream.linear.scatter [tilespmem:s6], [sflag:$0x2], $0x4000, $0x38;
	[tilespmem:$0x4080] =	vst v63  }
0x28: {  	s17 =	sor.u32 $0x180, s13;
	_ =	swait.ge [sflag:s4], $0x4000  }
0x29: {  	s13 =	sshrl.u32 s17, $0x3;
	[sflag:s4] =	ssyncset.done $0x0  }
0x2a: {  	s14 =	ssub.s32 $0x2, s14;
	s13 =	sadd.s32 s15, s13;
	[sflag:s4] =	ssyncadd.s32 $0xFFFFC000  }
0x2b: {  	[tilespmem:s3], [sflag:$0x2] =	stream.linear.gather [hbm4b:s13+s3], $0x80, $0x38;
	[tilespmem:$0x4080] =	vst v63  }
0x2c: {  	s30 =	sshrl.u32 s14, $0x1;
	_ =	swait.ge [sflag:s4], $0x80  }
0x2d: {  	s15 =	ssub.s32 s14, s30;
	[sflag:s4] =	ssyncset.done $0x0  }
0x2e: {  	s15 =	smax.u32 s15, $0x1;
	[sflag:s4] =	ssyncadd.s32 $0xFFFFFF80  }
0x2f: {  	[tilespmem:s6], [sflag:$0x1] =	stream.indirect.gather [hbm4b:s2+s6], $0x80, s3, s6, $0xb8;
	[tilespmem:$0x4080] =	vst v63  }
0x30: {  	p0 =	sne.s32 s15, $0x1;
	_ =	swait.ge [sflag:s7], $0x4000  }
.Ltmp0:
0x31: {  	s31 =	sshll.u32 s17, $0x4;
	[sflag:s7] =	ssyncset.done $0x0;
	(pc) =	sbr.rel @!p0 .LBB2_2-.Ltmp0, $4  }
0x32: {  	s14 =	sadd.s32 s16, s31;
	[sflag:s7] =	ssyncadd.s32 $0xFFFFC000  }
0x33: {  	[hbm4b:s14+s3] =	stream.linear.scatter [tilespmem:s6], [sflag:$0x2], $0x4000, $0x38;
	[tilespmem:$0x4080] =	vst v63  }
0x34: {  	_ =	swait.ge [sflag:s4], $0x4000  }
0x35: {  	s15 =	sadd.s32 $0xFFFFFFFF, s15;
	[sflag:s4] =	ssyncset.done $0x0  }
.LBB2_1:
0x36: {  	p0 =	sne.s32 s15, $0x1;
	s15 =	sadd.s32 $0xFFFFFFFF, s15;
	[sflag:s4] =	ssyncadd.s32 $0xFFFFC000  }
0x37: {  	[tilespmem:s3], [sflag:$0x2] =	stream.linear.gather [hbm4b:s5+s3], $0x80, $0x38;
	[tilespmem:$0x4080] =	vst v63  }
0x38: {  	_ =	swait.ge [sflag:s4], $0x80  }
0x39: {  	[sflag:s4] =	ssyncset.done $0x0  }
0x3a: {  	[sflag:s4] =	ssyncadd.s32 $0xFFFFFF80  }
0x3b: {  	[tilespmem:s6], [sflag:$0x1] =	stream.indirect.gather [hbm4b:s2+s6], $0x80, s3, s6, $0xb8;
	[tilespmem:$0x4080] =	vst v63  }
0x3c: {  	_ =	swait.ge [sflag:s7], $0x4000  }
0x3d: {  	[sflag:s7] =	ssyncset.done $0x0  }
0x3e: {  	[sflag:s7] =	ssyncadd.s32 $0xFFFFC000  }
0x3f: {  	[hbm4b:s8+s3] =	stream.linear.scatter [tilespmem:s6], [sflag:$0x2], $0x4000, $0x38;
	[tilespmem:$0x4080] =	vst v63  }
0x40: {  	_ =	swait.ge [sflag:s4], $0x4000  }
0x41: {  	[sflag:s4] =	ssyncset.done $0x0  }
0x42: {  	[sflag:s4] =	ssyncadd.s32 $0xFFFFC000  }
0x43: {  	[tilespmem:s3], [sflag:$0x2] =	stream.linear.gather [hbm4b:s9+s3], $0x80, $0x38;
	[tilespmem:$0x4080] =	vst v63  }
0x44: {  	_ =	swait.ge [sflag:s4], $0x80  }
0x45: {  	[sflag:s4] =	ssyncset.done $0x0  }
0x46: {  	[sflag:s4] =	ssyncadd.s32 $0xFFFFFF80  }
0x47: {  	[tilespmem:s6], [sflag:$0x1] =	stream.indirect.gather [hbm4b:s2+s6], $0x80, s3, s6, $0xb8;
	[tilespmem:$0x4080] =	vst v63  }
0x48: {  	_ =	swait.ge [sflag:s7], $0x4000  }
0x49: {  	[sflag:s7] =	ssyncset.done $0x0  }
0x4a: {  	[sflag:s7] =	ssyncadd.s32 $0xFFFFC000  }
0x4b: {  	[hbm4b:s10+s3] =	stream.linear.scatter [tilespmem:s6], [sflag:$0x2], $0x4000, $0x38;
	[tilespmem:$0x4080] =	vst v63  }
0x4c: {  	_ =	swait.ge [sflag:s4], $0x4000  }
0x4d: {  	[sflag:s4] =	ssyncset.done $0x0  }
0x4e: {  	[sflag:s4] =	ssyncadd.s32 $0xFFFFC000  }
0x4f: {  	[tilespmem:s3], [sflag:$0x2] =	stream.linear.gather [hbm4b:s11+s3], $0x80, $0x38;
	[tilespmem:$0x4080] =	vst v63  }
0x50: {  	_ =	swait.ge [sflag:s4], $0x80  }
0x51: {  	[sflag:s4] =	ssyncset.done $0x0  }
0x52: {  	[sflag:s4] =	ssyncadd.s32 $0xFFFFFF80  }
0x53: {  	[tilespmem:s6], [sflag:$0x1] =	stream.indirect.gather [hbm4b:s2+s6], $0x80, s3, s6, $0xb8;
	[tilespmem:$0x4080] =	vst v63  }
0x54: {  	_ =	swait.ge [sflag:s7], $0x4000  }
0x55: {  	[sflag:s7] =	ssyncset.done $0x0  }
0x56: {  	[sflag:s7] =	ssyncadd.s32 $0xFFFFC000  }
0x57: {  	[hbm4b:s12+s3] =	stream.linear.scatter [tilespmem:s6], [sflag:$0x2], $0x4000, $0x38;
	[tilespmem:$0x4080] =	vst v63  }
0x58: {  	_ =	swait.ge [sflag:s4], $0x4000  }
0x59: {  	[sflag:s4] =	ssyncset.done $0x0  }
0x5a: {  	[sflag:s4] =	ssyncadd.s32 $0xFFFFC000  }
0x5b: {  	[tilespmem:s3], [sflag:$0x2] =	stream.linear.gather [hbm4b:s13+s3], $0x80, $0x38;
	[tilespmem:$0x4080] =	vst v63  }
0x5c: {  	_ =	swait.ge [sflag:s4], $0x80  }
0x5d: {  	[sflag:s4] =	ssyncset.done $0x0  }
0x5e: {  	[sflag:s4] =	ssyncadd.s32 $0xFFFFFF80  }
0x5f: {  	[tilespmem:s6], [sflag:$0x1] =	stream.indirect.gather [hbm4b:s2+s6], $0x80, s3, s6, $0xb8;
	[tilespmem:$0x4080] =	vst v63  }
0x60: {  	_ =	swait.ge [sflag:s7], $0x4000  }
.Ltmp1:
0x61: {  	[sflag:s7] =	ssyncset.done $0x0;
	(pc) =	sbr.rel @p0 .LBB2_1-.Ltmp1, $4  }
0x62: {  	[sflag:s7] =	ssyncadd.s32 $0xFFFFC000  }
0x63: {  	[hbm4b:s14+s3] =	stream.linear.scatter [tilespmem:s6], [sflag:$0x2], $0x4000, $0x38;
	[tilespmem:$0x4080] =	vst v63  }
0x64: {  	_ =	swait.ge [sflag:s4], $0x4000  }
0x65: {  	[sflag:s4] =	ssyncset.done $0x0  }
.LBB2_2:
0x66: {  	[sflag:s4] =	ssyncadd.s32 $0xFFFFC000  }
0x67: {  	_ =	sfence.sel $0x180000  }
0x68: {  	[bflag:$0x0] =	sbarrier.arrive $0xFFFF  }
0x69: {  	p0 =	sne.s32 s0, $0x0;
	_ =	strace $0x9000004D  }
0x6a: {  	s0 =	sadd.s32 @!p0 $0x100000, s1;
	[bflag:$0x2] =	sbarrier.arrive $0xFFFF  }
0x6b: {  	[sflag:s0] =	ssyncadd.tile.s32 @!p0 $0x1;
	_ =	shalt  }
.Lfunc_end2:
_tile_overlayer_lowered:
.L_overlay_start_2:
0x6c: {  	(tag) =	ssettag $0x2  }
0x6d: {  	s0 =	rddreg [dreg:$0x0];
	s2 =	stileid.u32  }
0x6e: {  	s1 =	rddreg [dreg:$0x1];
	p0 =	sne.s32 s2, $0x0  }
0x6f: {  	s3 =	rddreg [dreg:$0x2];
	[bflag:$0x3] =	sbarrier.arrive $0xFFFF;
	s2 =	simm.s32 @!p0 $0x1C02  }
0x70: {  	[timem:s3], [sflag:s2] =	dma.local @!p0 [hbm:s0], s1  }
0x71: {  	s0 =	simm.s32 @!p0 $0x2  }
0x72: {  	_ =	swait.ge @!p0 [sflag:s0], s1  }
0x73: {  	s1 =	ssub.s32 @!p0 $0x0, s1;
	[sflag:s0] =	ssyncset.done @!p0 $0x0  }
0x74: {  	[sflag:s0] =	ssyncadd.s32 @!p0 s1  }
0x75: {  	[bflag:$0x3] =	sbarrier.arrive $0xFFFF  }
0x76: {  	_ =	shalt  }

// kernel: sparse-core-data-format-call.cloned.1.call-start
scs
called_computation_lowered:
.L_overlay_start_0:
0x0: {  	s1 =	sld [smem:$0x3FD9]  }
0x1: {  	s2 =	sld [smem:$0x3FFE];
	_ =	sdelay $0x1  }
0x2: {  	s3 =	srdreg.scid  }
0x3: {  	s0 =	sand.u32 $0x1, s3  }
0x4: {  	s17 =	sshll.u32 s0, $0xA;
	s1 =	sadd.s32 s2, s1  }
0x5: {  	s1 =	sadd.s32 s1, s17  }
0x6: {  	[smem:$0x3FB7] =	sst s1  }
0x7: {  	_ = 	snop  }
0x8: {  	(tm) =	ssettm $0x1  }
0x9: {  	s18 =	sld [smem:$0x3FFB];
	_ =	sdelay $0x3  }
0xa: {  	_ =	strace s18  }
0xb: {  	s1 =	sld [smem:$0x3FFC];
	_ =	sdelay $0x3  }
0xc: {  	_ =	strace s1  }
0xd: {  	s1 =	sld [smem:$0x3FFD];
	_ =	sdelay $0x3  }
0xe: {  	_ =	strace s1  }
0xf: {  	_ =	strace $0x8FFFFFFF  }
0x10: {  	s19 =	sld [smem:$0x3FDB];
	_ =	sdelay $0x1  }
0x11: {  	s20 =	simm.s32 $_scs_section_size  }
0x12: {  	s4 =	simm.s32 $_size__tile_overlayer_lowered;
	s5 =	simm.s32 $_tile_overlayer_lowered  }
0x13: {  	s23 =	simm.s32 $0x1BFF;
	s22 =	sshll.u32 s5, $0x1;
	s1 =	sadd.s32 s20, s19  }
0x14: {  	s6 =	simm.s32 $0x0;
	s21 =	sshll.u32 s4, $0x1;
	s4 =	sadd.s32 s22, s1  }
0x15: {  	[timem:s6], [sflag:s23] =	dma.local [hbm:s4], s21  }
0x16: {  	_ =	swait.ge [sflag:s23], s21  }
0x17: {  	s2 =	ssub.s32 $0x0, s21;
	[sflag:s23] =	ssyncset.done $0x0  }
0x18: {  	[sflag:s23] =	ssyncadd.s32 s2;
	_ =	sdelay $0x1  }
0x19: {  	s24 =	simm.s32 $0x1B8B  }
0x1a: {  	_ =	swait.ge [sflag:s24], $0x1  }
0x1b: {  	[sflag:s24] =	ssyncset.done $0x0  }
0x1c: {  	s26 =	simm.s32 $0x1B8E;
	s25 =	sld [smem:$0x3FFE];
	[sflag:s24] =	ssyncadd.s32 $0xFFFFFFFF  }
0x1d: {  	s27 =	simm.s32 $execute0_lowered;
	[smem:$0x3FD2] =	sst s26  }
0x1e: {  	s4 =	sshll.u32 s27, $0x1;
	_ =	strace $0x80000046;
	[dreg:$0x1] =	wrdreg $0xFFFFFFFF  }
0x1f: {  	s28 =	simm.s32 $_size_execute0_lowered;
	s1 =	sadd.s32 s1, s4;
	[dreg:$0x0] =	wrdreg $0x0  }
0x20: {  	s4 =	sshll.u32 s28, $0x1;
	[dreg:$0x2] =	wrdreg s1  }
0x21: {  	[dreg:$0x3] =	wrdreg s4  }
0x22: {  	[dreg:$0x4] =	wrdreg $0xC0  }
0x23: {  	_ =	task [dreg:s6], $0x5FFFF  }
0x24: {  	[dreg:$0x1] =	wrdreg $0xFFFFFFFF  }
0x25: {  	[dreg:$0x0] =	wrdreg $0x60  }
0x26: {  	[dreg:$0x2] =	wrdreg s25  }
0x27: {  	[dreg:$0x3] =	wrdreg $0x9  }
0x28: {  	_ =	task.clear_ibuf [dreg:s6], $0x4FFFF;
	_ =	strace $0x90000046  }
0x29: {  	s29 =	simm.s32 $0x9;
	_ =	strace $0x80000048  }
0x2a: {  	_ =	swait.ge [sflag:s29], $0x1  }
0x2b: {  	[sflag:s29] =	ssyncadd.s32 $0xFFFFFFFF  }
0x2c: {  	_ =	strace $0x90000048  }
0x2d: {  	_ =	sfence  }
0x2e: {  	s30 =	sld [smem:$0x0];
	_ =	sdelay $0x2  }
0x2f: {  	s31 =	sshll.u32 s3, $0xD;
	s3 =	sshrl.u32 s3, $0x2  }
0x30: {  	s2 =	sand.u32 $0x4000, s31;
	s1 =	sadd.s32 s3, s30  }
0x31: {  	s0 =	sor.u32 s2, s0;
	s1 =	sshll.u32 s1, $0x11  }
0x32: {  	s0 =	sor.u32 s1, s0  }
0x33: {  	s0 =	sadd.s32 $0x8F2B, s0  }
0x34: {  	[sflag:s0] =	ssyncadd.remote.s32 $0x1  }
0x35: {  	_ =	sfence.sel $0xFFFF  }
0x36: {  	[dreg:$0x0] =	wrdreg $0xFFFFFFFF;
	(pc) =	sbr.abs _section_cstart, $3  }
0x37: {  	[dreg:$0x1] =	wrdreg $0xFFFFFFFF  }
0x38: {  	_ =	task.clear_ibuf [dreg:s6], $0x2FFFF;
	_ =	strace $0x9FFFFFFF  }
0x39: {  	(tm) =	ssettm $0x7FFFFFFF  }
tec
execute0_lowered:
.L_overlay_start_1:
0x0: {  	(tag) =	ssettag $0x1  }
0x1: {  	s7 =	rddreg [dreg:$0x0]  }
0x2: {  	s1 =	stileid.u32;
	s3 =	srdreg.scid  }
0x3: {  	s0 =	rddreg [dreg:$0x1];
	_ =	strace $0x80000047;
	s8 =	simm.s32 $0x1  }
0x4: {  	s31 =	simm.s32 $0x2;
	s14 =	simm.s32 $0x0;
	s13 =	simm.s32 $0x0  }
0x5: {  	s12 =	simm.s32 $0x0;
	s2 =	sshll.u32 s1, $0x7;
	s3 =	sshll.u32 s3, $0x7  }
0x6: {  	s3 =	sand.u32 $0x80, s3;
	s4 =	ssub.s32 $0x800, s2;
	s11 =	smov.u32 s2  }
0x7: {  	s5 =	sshrl.u32 s4, $0xB;
	s4 =	sand.u32 $0x780, s4;
	s6 =	ssub.s32 $0x4000, s3  }
0x8: {  	p0 =	sne.s32 s4, $0x0;
	s30 =	sshrl.u32 s6, $0x7;
	s6 =	sshrl.u32 s6, $0x8  }
.Ltmp0:
0x9: {  	s8 =	simm.s32 @!p0 $0x0;
	s9 =	sand.u32 $0x1, s30;
	(pc) =	sbr.rel .LBB1_1-.Ltmp0, $4  }
0xa: {  	s4 =	simm.s32 $0x1;
	s5 =	sadd.s32 s8, s5;
	s6 =	sadd.s32 s6, s9  }
0xb: {  	s10 =	smov.u32 s3;
	[sflag:s4] =	ssyncpa.u1 $0x0;
	s5 =	smul.u32 s5, s6  }
0xc: {  	p0 =	por $0x0, $0x0;
	[sflag:s31] =	ssyncpa.u1 $0x0;
	s9 =	simm.s32 $0x4000  }
0xd: {  	s6 =	sadd.s32 $0x2E00, s7;
	s7 =	sadd.s32 $0x402E00, s7;
	s8 =	sadd.s32 $0x1, s5  }
.LBB1_4:
0xe: {  	v5 =	vld [tilespmem:s17+$0xFFFFFFD0]  }
0xf: {  	[tilespmem:s18+$0x2040 ss:$0x81] =	vst.msk $0xffff, v1;
	v58 =	vld [tilespmem:s17+$0xFFFFFFE0]  }
0x10: {  	[tilespmem:s18+$0x2850 ss:$0x81] =	vst.msk $0xffff, v2;
	v59 =	vld [tilespmem:s17+$0xFFFFFFF0]  }
0x11: {  	s19 =	sshra.s32 s19, $0x2;
	[tilespmem:s18+$0x3060 ss:$0x81] =	vst.msk $0xffff, v3;
	v60 =	vld [tilespmem:s17+$0x0]  }
0x12: {  	[tilespmem:s18+$0x0 ss:$0x81] =	vst.msk $0xffff, v0;
	v61 =	vld [tilespmem:s17+$0x10];
	s16 =	sadd.s32 s19, s16  }
0x13: {  	s26 =	sshll.u32 s14, $0xB;
	v62 =	vld [tilespmem:s17+$0x20];
	[tilespmem:s16+$0x3870 ss:$0x81] =	vst.msk $0xffff, v4  }
0x14: {  	s27 =	sand.u32 $0x78, s13;
	s20 =	sshll.u32 s13, $0x3;
	v63 =	vld [tilespmem:s17+$0xFFFFFFC0];
	s29 =	sshll.u32 s14, $0x7;
	[tilespmem:s16+$0x810 ss:$0x81] =	vst.msk $0xffff, v5  }
0x15: {  	s18 =	sand.u32 $0x1FFC000, s26;
	s28 =	sand.u32 $0x1FFFC00, s20;
	s20 =	sand.u32 $0x400, s20;
	[tilespmem:s16+$0x1020 ss:$0x81] =	vst.msk $0xffff, v58  }
0x16: {  	s14 =	sand.u32 $0x380, s29;
	s17 =	sadd.s32 s28, s18;
	s30 =	sor.u32 s27, s20;
	[tilespmem:s16+$0x1830 ss:$0x81] =	vst.msk $0xffff, v59  }
0x17: {  	s17 =	sand.u32 $0x1FFF800, s17;
	s14 =	sor.u32 s14, s30;
	[tilespmem:s16+$0x2040 ss:$0x81] =	vst.msk $0xffff, v60  }
0x18: {  	s31 =	sand.u32 $0x7, s13;
	s14 =	sor.u32 s17, s14;
	[tilespmem:s16+$0x2850 ss:$0x81] =	vst.msk $0xffff, v61  }
0x19: {  	s13 =	sshll.u32 s31, $0x12;
	[tilespmem:s16+$0x3060 ss:$0x81] =	vst.msk $0xffff, v62;
	s14 =	sshrl.u32 s14, $0x3  }
0x1a: {  	s13 =	sor.u32 $0x400, s13;
	[tilespmem:s16+$0x0 ss:$0x81] =	vst.msk $0xffff, v63;
	s14 =	sadd.s32 s7, s14  }
0x1b: {  	[hbm4b:s14+s13] =	stream.strided.scatter [tilespmem:s15], [sflag:$0x2], $0x4000, s9, s13, $0x20;
	[tilespmem:$0x10100] =	vst v63  }
.LBB1_5:
0x1c: {  	s15 =	sadd.s32 $0x100, s10  }
0x1d: {  	s13 =	sadd.s32 $0x800, s11;
	s17 =	smov.u32 s11;
	p2 =	sgt.s32 s15, $0x3FFF  }
0x1e: {  	s17 =	smov.u32 @p2 s13  }
0x1f: {  	s15 =	smov.u32 @p2 s3;
	p2 =	sgt.s32 s17, $0x7FF  }
0x20: {  	s17 =	smov.u32 @p2 s2;
	p2 =	sne.s32 s12, s8  }
.Ltmp1:
0x21: {  	p1 =	slt.u32 s12, $0x2;
	(pc) =	sbr.rel @!p2 .LBB1_6-.Ltmp1, $4  }
0x22: {  	s16 =	simm.s32 @!p1 $0x2  }
0x23: {  	s14 =	smov.u32 s10;
	p0 =	por !p0, !p0;
	_ =	swait.ge @!p1 [sflag:s16], $0x4000  }
0x24: {  	s13 =	smov.u32 s11;
	[sflag:s16] =	ssyncset.done @!p1 $0x0;
	s10 =	smov.u32 s15  }
0x25: {  	s12 =	sadd.s32 $0x1, s12;
	[sflag:s16] =	ssyncadd.s32 @!p1 $0xFFFFC000;
	s11 =	smov.u32 s17  }
.LBB1_1:
0x26: {  	p1 =	sge.u32 s12, s5;
	s31 =	sadd.s32 $0xFFFFFFFF, s12  }
0x27: {  	s15 =	sand.u32 @!p1 $0x78, s10;
	s16 =	sshll.u32 @!p1 s11, $0xE;
	s17 =	sshll.u32 @!p1 s11, $0x7  }
0x28: {  	s18 =	sshll.u32 @!p1 s10, $0x3;
	s16 =	sand.u32 @!p1 $0x1FE0000, s16;
	s17 =	sand.u32 @!p1 $0x380, s17  }
0x29: {  	s16 =	sadd.s32 @!p1 s16, s18;
	s18 =	sand.u32 @!p1 $0x3C00, s18;
	s15 =	sor.u32 @!p1 s17, s15  }
0x2a: {  	s17 =	sxor.u32 @!p1 $0xFFFFFFFF, s12;
	s16 =	sand.u32 @!p1 $0x1FFC000, s16;
	s15 =	sor.u32 @!p1 s18, s15  }
0x2b: {  	s17 =	sshll.u32 @!p1 s17, $0xE;
	s15 =	sor.u32 @!p1 s16, s15;
	s16 =	sand.u32 @!p1 $0x7, s10  }
0x2c: {  	s18 =	simm.s32 @!p1 $0x20000;
	s15 =	sshrl.u32 @!p1 s15, $0x3;
	s16 =	sshll.u32 @!p1 s16, $0x12  }
0x2d: {  	s17 =	sand.u32 @!p1 $0x4000, s17;
	s15 =	sadd.s32 @!p1 s6, s15;
	s16 =	sor.u32 @!p1 $0x400, s16  }
0x2e: {  	[tilespmem:s17], [sflag:$0x1] =	stream.strided.gather @!p1 [hbm4b:s15+s16], $0x4000, s18, s16, $0x38;
	[tilespmem:$0x10100] =	vst v63  }
0x2f: {  	p1 =	sge.u32 s31, s5  }
.Ltmp2:
0x30: {  	_ = 	snop;
	(pc) =	sbr.rel @p1 .LBB1_5-.Ltmp2, $1  }
0x31: {  	_ =	sdelay $0x3  }
0x32: {  	s15 =	simm.s32 $0x1  }
0x33: {  	_ =	swait.ge [sflag:s4], $0x4000;
	s15 =	simm.s32 @!p0 $0x0  }
0x34: {  	[sflag:s4] =	ssyncset.done $0x0;
	s16 =	sshll.u32 s15, $0xE  }
0x35: {  	[sflag:s4] =	ssyncadd.s32 $0xFFFFC000;
	s17 =	sor.u32 $0x40, s16  }
0x36: {  	s15 =	smul.u32 $0x10200, s15;
	v0 =	vld [tilespmem:s17+$0x30]  }
0x37: {  	v3 =	vld [tilespmem:s17+$0xFFFFFFD0]  }
0x38: {  	s15 =	sshrl.u32 s15, $0x2;
	v4 =	vld [tilespmem:s17+$0xFFFFFFE0]  }
0x39: {  	v5 =	vld [tilespmem:s17+$0xFFFFFFF0];
	s16 =	sor.u32 $0x8000, s15  }
0x3a: {  	s31 =	sand.u32 $0x1, s12;
	v1 =	vld [tilespmem:s17+$0x0];
	s18 =	sadd.s32 $0x0, s16  }
0x3b: {  	v2 =	vld [tilespmem:s17+$0x10];
	s15 =	smul.u32 $0x10200, s31;
	[tilespmem:s18+$0x3870 ss:$0x81] =	vst.msk $0xffff, v0  }
0x3c: {  	[tilespmem:s18+$0x810 ss:$0x81] =	vst.msk $0xffff, v3;
	v3 =	vld [tilespmem:s17+$0x20]  }
0x3d: {  	s15 =	sshrl.u32 s15, $0x2;
	v0 =	vld [tilespmem:s17+$0xFFFFFFC0];
	[tilespmem:s18+$0x1020 ss:$0x81] =	vst.msk $0xffff, v4;
	s17 =	sadd.s32 $0x80, s17  }
0x3e: {  	s19 =	simm.s32 $0x4;
	s20 =	simm.s32 $0x8;
	s15 =	sor.u32 $0x8000, s15;
	[tilespmem:s18+$0x1830 ss:$0x81] =	vst.msk $0xffff, v5;
	v4 =	vld [tilespmem:s17+$0x30]  }
.LBB1_3:
0x3f: {  	p1 =	sne.s32 s20, $0x1FC;
	v5 =	vld [tilespmem:s17+$0xFFFFFFD0];
	[tilespmem:s18+$0x2040 ss:$0x81] =	vst.msk $0xffff, v1  }
0x40: {  	v6 =	vld [tilespmem:s17+$0xFFFFFFE0];
	[tilespmem:s18+$0x2850 ss:$0x81] =	vst.msk $0xffff, v2  }
0x41: {  	s21 =	sshra.s32 s19, $0x2;
	s19 =	smov.u32 s20;
	v7 =	vld [tilespmem:s17+$0xFFFFFFF0];
	[tilespmem:s18+$0x3060 ss:$0x81] =	vst.msk $0xffff, v3  }
.Ltmp3:
0x42: {  	v1 =	vld [tilespmem:s17+$0x0];
	[tilespmem:s18+$0x0 ss:$0x81] =	vst.msk $0xffff, v0;
	s18 =	sadd.s32 s21, s16;
	(pc) =	sbr.rel @p1 .LBB1_3-.Ltmp3, $4  }
0x43: {  	v2 =	vld [tilespmem:s17+$0x10];
	[tilespmem:s18+$0x3870 ss:$0x81] =	vst.msk $0xffff, v4  }
0x44: {  	[tilespmem:s18+$0x810 ss:$0x81] =	vst.msk $0xffff, v5;
	v3 =	vld [tilespmem:s17+$0x20]  }
0x45: {  	v0 =	vld [tilespmem:s17+$0xFFFFFFC0];
	[tilespmem:s18+$0x1020 ss:$0x81] =	vst.msk $0xffff, v6;
	s17 =	sadd.s32 $0x80, s17  }
0x46: {  	s20 =	sadd.s32 $0x4, s20;
	v4 =	vld [tilespmem:s17+$0x30];
	[tilespmem:s18+$0x1830 ss:$0x81] =	vst.msk $0xffff, v7  }
.Ltmp4:
0x47: {  	_ = 	snop;
	(pc) =	sbr.rel .LBB1_4-.Ltmp4, $1  }
0x48: {  	_ =	sdelay $0x3  }
.LBB1_6:
0x49: {  	_ =	sfence.sel $0x180000  }
0x4a: {  	s2 =	simm.s32 $0x1;
	[bflag:$0x0] =	sbarrier.arrive $0xFFFF  }
0x4b: {  	s31 =	simm.s32 $0x2;
	[sflag:s2] =	ssyncpa.u1 $0x1  }
0x4c: {  	[sflag:s31] =	ssyncpa.u1 $0x1  }
0x4d: {  	p0 =	sne.s32 s1, $0x0;
	_ =	strace $0x90000047  }
0x4e: {  	s0 =	sadd.s32 @!p0 $0x100000, s0;
	[bflag:$0x2] =	sbarrier.arrive $0xFFFF  }
0x4f: {  	[sflag:s0] =	ssyncadd.tile.s32 @!p0 $0x1;
	_ =	shalt  }
.Lfunc_end1:
_tile_overlayer_lowered:
.L_overlay_start_2:
0x50: {  	(tag) =	ssettag $0x2  }
0x51: {  	s0 =	rddreg [dreg:$0x0];
	s2 =	stileid.u32  }
0x52: {  	s1 =	rddreg [dreg:$0x1];
	p0 =	sne.s32 s2, $0x0  }
0x53: {  	s3 =	rddreg [dreg:$0x2];
	[bflag:$0x3] =	sbarrier.arrive $0xFFFF;
	s2 =	simm.s32 @!p0 $0x1C01  }
0x54: {  	[timem:s3], [sflag:s2] =	dma.local @!p0 [hbm:s0], s1  }
0x55: {  	s0 =	simm.s32 @!p0 $0x1  }
0x56: {  	_ =	swait.ge @!p0 [sflag:s0], s1  }
0x57: {  	s1 =	ssub.s32 @!p0 $0x0, s1;
	[sflag:s0] =	ssyncset.done @!p0 $0x0  }
0x58: {  	[sflag:s0] =	ssyncadd.s32 @!p0 s1  }
0x59: {  	[bflag:$0x3] =	sbarrier.arrive $0xFFFF  }
0x5a: {  	_ =	shalt  }

</sc_bundles>
